<compile_context>
chip_gen: v7x
topology: tpu7x:2x2x1
jax: 0.10.2.dev20260603
libtpu: 0.0.44.dev20260713+nightly
codegen_flags: <defaults>
</compile_context>

<pallas_src>
import functools

import jax
import jax.numpy as jnp
from jax import lax
from jax.experimental import pallas as pl
from jax.experimental.pallas import tpu as pltpu
from jax.experimental.pallas import tpu_sc as plsc

_NC = 2
_NS = 16
_L = 16
_NW = _NC * _NS


@functools.lru_cache(maxsize=None)
def _make_sc_kernel(B, D, chunk_sizes):
    b_per_w = B // _NW
    assert sum(chunk_sizes) == b_per_w
    starts = []
    off = 0
    for sz in chunk_sizes:
        starts.append(off)
        off += sz
    cmax = max(chunk_sizes)
    n_chunks = len(chunk_sizes)
    mesh = plsc.VectorSubcoreMesh(core_axis_name="c", subcore_axis_name="s")

    @functools.partial(
        pl.kernel,
        mesh=mesh,
        out_type=jax.ShapeDtypeStruct((_NW, _L), jnp.float32),
        scratch_types=[
            pltpu.VMEM((b_per_w,), jnp.int32),
            pltpu.VMEM((b_per_w, D), jnp.float32),
            pltpu.VMEM((cmax, D), jnp.float32),
            pltpu.VMEM((cmax, D), jnp.float32),
            pltpu.VMEM((cmax, D), jnp.float32),
            pltpu.VMEM((_L,), jnp.float32),
            pltpu.SemaphoreType.DMA,
            pltpu.SemaphoreType.DMA,
            pltpu.SemaphoreType.DMA,
        ],
        compiler_params=pltpu.CompilerParams(needs_layout_passes=False),
    )
    def sc_kernel(x_hbm, lab_hbm, cen_hbm, out_hbm,
                  idx_v, x_v, c_v0, c_v1, c_v2, acc_v,
                  sem0, sem1, sem2):
        wid = lax.axis_index("s") * _NC + lax.axis_index("c")
        base = wid * b_per_w
        cbufs = ((c_v0, sem0), (c_v1, sem1), (c_v2, sem2))

        pltpu.sync_copy(lab_hbm.at[pl.ds(base, b_per_w)], idx_v)

        def start(ci):
            cb, sem = cbufs[ci % 3]
            r0, sz = starts[ci], chunk_sizes[ci]
            hc = pltpu.async_copy(
                cen_hbm.at[idx_v.at[pl.ds(r0, sz)]], cb.at[pl.ds(0, sz)], sem)
            hx = pltpu.async_copy(
                x_hbm.at[pl.ds(base + r0, sz)], x_v.at[pl.ds(r0, sz)], sem)
            return hc, hx

        handles = [start(0), start(1)]
        tot = jnp.float32(0.0)
        for ci in range(n_chunks):
            if ci + 2 < n_chunks:
                handles.append(start(ci + 2))
            pending = handles[ci]
            for h in pending:
                h.wait()
            cb = cbufs[ci % 3][0]
            r0, sz = starts[ci], chunk_sizes[ci]

            def row_body(r, tot):
                acc = jnp.zeros((_L,), jnp.float32)
                for s in range(D // _L):
                    d = x_v[r0 + r, pl.ds(s * _L, _L)] - cb[r, pl.ds(s * _L, _L)]
                    acc = acc + d * d
                dist = jnp.sum(acc)
                dist = jnp.minimum(jnp.maximum(dist, 1e-12), 1e12)
                return tot + dist

            tot = lax.fori_loop(0, sz, row_body, tot)
        lane = lax.iota(jnp.int32, _L)
        acc_v[...] = jnp.where(lane == 0, tot * (1.0 / B), 0.0)
        pltpu.sync_copy(acc_v, out_hbm.at[wid])

    return sc_kernel


def kernel(x, labels, centers):
    B, D = x.shape
    sck = _make_sc_kernel(B, D, (32, 96, 128, 128, 128))
    partials = sck(x, labels.astype(jnp.int32), centers)
    return jnp.sum(partials)

# --- scband reference (transcript-rebuilt; emitter-appended) ---
"""Pipeline reference for scband-center-loss-15272903705320 (READ-ONLY COPY).

The authoritative reference and input builder live on the scoring server;
editing this copy changes nothing except your own understanding.
"""

import jax, jax.numpy as jnp
import numpy as np

NUM_CLASSES = 100000
FEAT_DIM = 128
BATCH = 16384


def setup_inputs(seed: int = 0) -> dict:
    key = jax.random.key(seed)
    k_x, k_lab, k_c = jax.random.split(key, 3)
    x = jax.random.normal(k_x, (BATCH, FEAT_DIM), dtype=jnp.float32)
    labels = jax.random.randint(k_lab, (BATCH,), 0, NUM_CLASSES, dtype=jnp.int64)
    centers = jax.random.normal(k_c, (NUM_CLASSES, FEAT_DIM), dtype=jnp.float32)
    return {"x": x, "labels": labels, "centers": centers}


def reference(x, labels, centers):
    # center = self.centers[labels]  (memory-bound gather from large table)
    center = jnp.take(centers, labels, axis=0)
    # dist = (x - center).pow(2).sum(dim=-1)
    dist = jnp.sum((x - center) ** 2, axis=-1)
    # loss = clamp(dist, 1e-12, 1e12).mean(dim=-1)
    loss = jnp.clip(dist, 1e-12, 1e12).mean(axis=-1)
    return loss

if __name__ == "__main__":
    import jax
    _d = setup_inputs()
    print(jax.jit(kernel)(*tuple(_d.values())))

</pallas_src>

<mosaic_0001>
#map = affine_map<(d0, d1) -> (0, 0)>
#map1 = affine_map<(d0, d1) -> (0)>
module attributes {stable_mosaic.version = 14 : i64} {
  func.func @sc_kernel(%arg0: i32, %arg1: i32, %arg2: memref<16384x128xf32, #tpu.memory_space<hbm>>, %arg3: memref<16384xi32, #tpu.memory_space<hbm>>, %arg4: memref<100000x128xf32, #tpu.memory_space<hbm>>, %arg5: memref<32x16xf32, #tpu.memory_space<hbm>>, %arg6: memref<512xi32, #tpu.memory_space<vmem>>, %arg7: memref<512x128xf32, #tpu.memory_space<vmem>>, %arg8: memref<128x128xf32, #tpu.memory_space<vmem>>, %arg9: memref<128x128xf32, #tpu.memory_space<vmem>>, %arg10: memref<128x128xf32, #tpu.memory_space<vmem>>, %arg11: memref<16xf32, #tpu.memory_space<vmem>>, %arg12: memref<!tpu.dma_semaphore, #tpu.memory_space<semaphore_mem>>, %arg13: memref<!tpu.dma_semaphore, #tpu.memory_space<semaphore_mem>>, %arg14: memref<!tpu.dma_semaphore, #tpu.memory_space<semaphore_mem>>) attributes {dimension_semantics = [#tpu.dimension_semantics<core_parallel>, #tpu.dimension_semantics<subcore_parallel>], iteration_bounds = array<i64: 2, 16>, scalar_prefetch = 0 : i64, scratch_operands = 9 : i64, tpu.core_type = #tpu.core_type<sc_vector_subcore>, window_params = [{transform_indices = #map}, {transform_indices = #map1}, {transform_indices = #map}, {transform_indices = #map}]} {
    %mul3A = arith.constant 2 : i32
    %mul3A_0 = arith.muli %arg1, %mul3A : i32
    %add3A = arith.addi %mul3A_0, %arg0 : i32
    %mul3A_1 = arith.constant 512 : i32
    %mul3A_2 = arith.muli %add3A, %mul3A_1 : i32
    "tpu.region"() ({
      %run_scoped3A = tpu.sem_alloc : memref<!tpu.dma_semaphore, #tpu.memory_space<semaphore_mem>>
      %dma_start3A_227 = tpu.memref_slice %arg3[%mul3A_2] : memref<16384xi32, #tpu.memory_space<hbm>> -> memref<512xi32, #tpu.memory_space<hbm>>
      %dma_start3A_228 = tpu.memref_slice %arg3[%mul3A_2] : memref<16384xi32, #tpu.memory_space<hbm>> -> memref<512xi32, #tpu.memory_space<hbm>>
      tpu.enqueue_dma source(%dma_start3A_228 : memref<512xi32, #tpu.memory_space<hbm>>) target(%arg6 : memref<512xi32, #tpu.memory_space<vmem>>) target_semaphore(%run_scoped3A : memref<!tpu.dma_semaphore, #tpu.memory_space<semaphore_mem>>)
      %dma_wait3A_229 = tpu.memref_slice %arg3[%mul3A_2] : memref<16384xi32, #tpu.memory_space<hbm>> -> memref<512xi32, #tpu.memory_space<hbm>>
      %dma_wait3A_230 = tpu.memref_slice %arg3[%mul3A_2] : memref<16384xi32, #tpu.memory_space<hbm>> -> memref<512xi32, #tpu.memory_space<hbm>>
      tpu.wait_dma2 semaphore(%run_scoped3A : memref<!tpu.dma_semaphore, #tpu.memory_space<semaphore_mem>>) src(%dma_wait3A_230 : memref<512xi32, #tpu.memory_space<hbm>>) dst(%arg6 : memref<512xi32, #tpu.memory_space<vmem>>)
      tpu.yield
    }) : () -> ()
    %dma_start3A = arith.constant 0 : i32
    %dma_start3A_3 = arith.constant 0 : i32
    %dma_start3A_4 = tpu.memref_slice %arg8[%dma_start3A, %dma_start3A_3] : memref<128x128xf32, #tpu.memory_space<vmem>> -> memref<32x128xf32, #tpu.memory_space<vmem>>
    %dma_start3A_5 = arith.constant 0 : i32
    %dma_start3A_6 = tpu.memref_slice %arg6[%dma_start3A_5] : memref<512xi32, #tpu.memory_space<vmem>> -> memref<32xi32, #tpu.memory_space<vmem>>
    %dma_start3A_7 = arith.constant 0 : i32
    %dma_start3A_8 = arith.constant 0 : i32
    %dma_start3A_9 = tpu.memref_slice %arg4[%dma_start3A_7, %dma_start3A_8] : memref<100000x128xf32, #tpu.memory_space<hbm>> -> memref<100000x128xf32, #tpu.memory_space<hbm>>
    tpu.enqueue_indirect_dma source(%dma_start3A_9 : memref<100000x128xf32, #tpu.memory_space<hbm>>) target(%dma_start3A_4 : memref<32x128xf32, #tpu.memory_space<vmem>>) offsets(%dma_start3A_6 : memref<32xi32, #tpu.memory_space<vmem>>) semaphore(%arg12 : memref<!tpu.dma_semaphore, #tpu.memory_space<semaphore_mem>>)
    %add3A_10 = arith.constant 0 : i32
    %add3A_11 = arith.addi %mul3A_2, %add3A_10 : i32
    %dma_start3A_12 = arith.constant 0 : i32
    %dma_start3A_13 = arith.constant 0 : i32
    %dma_start3A_14 = tpu.memref_slice %arg7[%dma_start3A_12, %dma_start3A_13] : memref<512x128xf32, #tpu.memory_space<vmem>> -> memref<32x128xf32, #tpu.memory_space<vmem>>
    %dma_start3A_15 = arith.constant 0 : i32
    %dma_start3A_16 = tpu.memref_slice %arg2[%add3A_11, %dma_start3A_15] : memref<16384x128xf32, #tpu.memory_space<hbm>> -> memref<32x128xf32, #tpu.memory_space<hbm>>
    %dma_start3A_17 = arith.constant 0 : i32
    %dma_start3A_18 = arith.constant 0 : i32
    %dma_start3A_19 = tpu.memref_slice %arg7[%dma_start3A_17, %dma_start3A_18] : memref<512x128xf32, #tpu.memory_space<vmem>> -> memref<32x128xf32, #tpu.memory_space<vmem>>
    %dma_start3A_20 = arith.constant 0 : i32
    %dma_start3A_21 = tpu.memref_slice %arg2[%add3A_11, %dma_start3A_20] : memref<16384x128xf32, #tpu.memory_space<hbm>> -> memref<32x128xf32, #tpu.memory_space<hbm>>
    tpu.enqueue_dma source(%dma_start3A_21 : memref<32x128xf32, #tpu.memory_space<hbm>>) target(%dma_start3A_19 : memref<32x128xf32, #tpu.memory_space<vmem>>) target_semaphore(%arg12 : memref<!tpu.dma_semaphore, #tpu.memory_space<semaphore_mem>>)
    %dma_start3A_22 = arith.constant 0 : i32
    %dma_start3A_23 = arith.constant 0 : i32
    %dma_start3A_24 = tpu.memref_slice %arg9[%dma_start3A_22, %dma_start3A_23] : memref<128x128xf32, #tpu.memory_space<vmem>> -> memref<96x128xf32, #tpu.memory_space<vmem>>
    %dma_start3A_25 = arith.constant 32 : i32
    %dma_start3A_26 = tpu.memref_slice %arg6[%dma_start3A_25] : memref<512xi32, #tpu.memory_space<vmem>> -> memref<96xi32, #tpu.memory_space<vmem>>
    %dma_start3A_27 = arith.constant 0 : i32
    %dma_start3A_28 = arith.constant 0 : i32
    %dma_start3A_29 = tpu.memref_slice %arg4[%dma_start3A_27, %dma_start3A_28] : memref<100000x128xf32, #tpu.memory_space<hbm>> -> memref<100000x128xf32, #tpu.memory_space<hbm>>
    tpu.enqueue_indirect_dma source(%dma_start3A_29 : memref<100000x128xf32, #tpu.memory_space<hbm>>) target(%dma_start3A_24 : memref<96x128xf32, #tpu.memory_space<vmem>>) offsets(%dma_start3A_26 : memref<96xi32, #tpu.memory_space<vmem>>) semaphore(%arg13 : memref<!tpu.dma_semaphore, #tpu.memory_space<semaphore_mem>>)
    %add3A_30 = arith.constant 32 : i32
    %add3A_31 = arith.addi %mul3A_2, %add3A_30 : i32
    %dma_start3A_32 = arith.constant 32 : i32
    %dma_start3A_33 = arith.constant 0 : i32
    %dma_start3A_34 = tpu.memref_slice %arg7[%dma_start3A_32, %dma_start3A_33] : memref<512x128xf32, #tpu.memory_space<vmem>> -> memref<96x128xf32, #tpu.memory_space<vmem>>
    %dma_start3A_35 = arith.constant 0 : i32
    %dma_start3A_36 = tpu.memref_slice %arg2[%add3A_31, %dma_start3A_35] : memref<16384x128xf32, #tpu.memory_space<hbm>> -> memref<96x128xf32, #tpu.memory_space<hbm>>
    %dma_start3A_37 = arith.constant 32 : i32
    %dma_start3A_38 = arith.constant 0 : i32
    %dma_start3A_39 = tpu.memref_slice %arg7[%dma_start3A_37, %dma_start3A_38] : memref<512x128xf32, #tpu.memory_space<vmem>> -> memref<96x128xf32, #tpu.memory_space<vmem>>
    %dma_start3A_40 = arith.constant 0 : i32
    %dma_start3A_41 = tpu.memref_slice %arg2[%add3A_31, %dma_start3A_40] : memref<16384x128xf32, #tpu.memory_space<hbm>> -> memref<96x128xf32, #tpu.memory_space<hbm>>
    tpu.enqueue_dma source(%dma_start3A_41 : memref<96x128xf32, #tpu.memory_space<hbm>>) target(%dma_start3A_39 : memref<96x128xf32, #tpu.memory_space<vmem>>) target_semaphore(%arg13 : memref<!tpu.dma_semaphore, #tpu.memory_space<semaphore_mem>>)
    %dma_start3A_42 = arith.constant 0 : i32
    %dma_start3A_43 = arith.constant 0 : i32
    %dma_start3A_44 = tpu.memref_slice %arg10[%dma_start3A_42, %dma_start3A_43] : memref<128x128xf32, #tpu.memory_space<vmem>> -> memref<128x128xf32, #tpu.memory_space<vmem>>
    %dma_start3A_45 = arith.constant 128 : i32
    %dma_start3A_46 = tpu.memref_slice %arg6[%dma_start3A_45] : memref<512xi32, #tpu.memory_space<vmem>> -> memref<128xi32, #tpu.memory_space<vmem>>
    %dma_start3A_47 = arith.constant 0 : i32
    %dma_start3A_48 = arith.constant 0 : i32
    %dma_start3A_49 = tpu.memref_slice %arg4[%dma_start3A_47, %dma_start3A_48] : memref<100000x128xf32, #tpu.memory_space<hbm>> -> memref<100000x128xf32, #tpu.memory_space<hbm>>
    tpu.enqueue_indirect_dma source(%dma_start3A_49 : memref<100000x128xf32, #tpu.memory_space<hbm>>) target(%dma_start3A_44 : memref<128x128xf32, #tpu.memory_space<vmem>>) offsets(%dma_start3A_46 : memref<128xi32, #tpu.memory_space<vmem>>) semaphore(%arg14 : memref<!tpu.dma_semaphore, #tpu.memory_space<semaphore_mem>>)
    %add3A_50 = arith.constant 128 : i32
    %add3A_51 = arith.addi %mul3A_2, %add3A_50 : i32
    %dma_start3A_52 = arith.constant 128 : i32
    %dma_start3A_53 = arith.constant 0 : i32
    %dma_start3A_54 = tpu.memref_slice %arg7[%dma_start3A_52, %dma_start3A_53] : memref<512x128xf32, #tpu.memory_space<vmem>> -> memref<128x128xf32, #tpu.memory_space<vmem>>
    %dma_start3A_55 = arith.constant 0 : i32
    %dma_start3A_56 = tpu.memref_slice %arg2[%add3A_51, %dma_start3A_55] : memref<16384x128xf32, #tpu.memory_space<hbm>> -> memref<128x128xf32, #tpu.memory_space<hbm>>
    %dma_start3A_57 = arith.constant 128 : i32
    %dma_start3A_58 = arith.constant 0 : i32
    %dma_start3A_59 = tpu.memref_slice %arg7[%dma_start3A_57, %dma_start3A_58] : memref<512x128xf32, #tpu.memory_space<vmem>> -> memref<128x128xf32, #tpu.memory_space<vmem>>
    %dma_start3A_60 = arith.constant 0 : i32
    %dma_start3A_61 = tpu.memref_slice %arg2[%add3A_51, %dma_start3A_60] : memref<16384x128xf32, #tpu.memory_space<hbm>> -> memref<128x128xf32, #tpu.memory_space<hbm>>
    tpu.enqueue_dma source(%dma_start3A_61 : memref<128x128xf32, #tpu.memory_space<hbm>>) target(%dma_start3A_59 : memref<128x128xf32, #tpu.memory_space<vmem>>) target_semaphore(%arg14 : memref<!tpu.dma_semaphore, #tpu.memory_space<semaphore_mem>>)
    %dma_wait3A = arith.constant 0 : i32
    %dma_wait3A_62 = arith.constant 0 : i32
    %dma_wait3A_63 = tpu.memref_slice %arg8[%dma_wait3A, %dma_wait3A_62] : memref<128x128xf32, #tpu.memory_space<vmem>> -> memref<32x128xf32, #tpu.memory_space<vmem>>
    %dma_wait3A_64 = arith.constant 0 : i32
    %dma_wait3A_65 = tpu.memref_slice %arg6[%dma_wait3A_64] : memref<512xi32, #tpu.memory_space<vmem>> -> memref<32xi32, #tpu.memory_space<vmem>>
    %dma_wait3A_66 = arith.constant 0 : i32
    %dma_wait3A_67 = arith.constant 0 : i32
    %dma_wait3A_68 = tpu.memref_slice %arg4[%dma_wait3A_66, %dma_wait3A_67] : memref<100000x128xf32, #tpu.memory_space<hbm>> -> memref<100000x128xf32, #tpu.memory_space<hbm>>
    tpu.wait_indirect_dma semaphore(%arg12 : memref<!tpu.dma_semaphore, #tpu.memory_space<semaphore_mem>>) src(%dma_wait3A_68 : memref<100000x128xf32, #tpu.memory_space<hbm>>) dst(%dma_wait3A_63 : memref<32x128xf32, #tpu.memory_space<vmem>>)
    %dma_wait3A_69 = arith.constant 0 : i32
    %dma_wait3A_70 = arith.constant 0 : i32
    %dma_wait3A_71 = tpu.memref_slice %arg7[%dma_wait3A_69, %dma_wait3A_70] : memref<512x128xf32, #tpu.memory_space<vmem>> -> memref<32x128xf32, #tpu.memory_space<vmem>>
    %dma_wait3A_72 = arith.constant 0 : i32
    %dma_wait3A_73 = tpu.memref_slice %arg2[%add3A_11, %dma_wait3A_72] : memref<16384x128xf32, #tpu.memory_space<hbm>> -> memref<32x128xf32, #tpu.memory_space<hbm>>
    %dma_wait3A_74 = arith.constant 0 : i32
    %dma_wait3A_75 = arith.constant 0 : i32
    %dma_wait3A_76 = tpu.memref_slice %arg7[%dma_wait3A_74, %dma_wait3A_75] : memref<512x128xf32, #tpu.memory_space<vmem>> -> memref<32x128xf32, #tpu.memory_space<vmem>>
    %dma_wait3A_77 = arith.constant 0 : i32
    %dma_wait3A_78 = tpu.memref_slice %arg2[%add3A_11, %dma_wait3A_77] : memref<16384x128xf32, #tpu.memory_space<hbm>> -> memref<32x128xf32, #tpu.memory_space<hbm>>
    tpu.wait_dma2 semaphore(%arg12 : memref<!tpu.dma_semaphore, #tpu.memory_space<semaphore_mem>>) src(%dma_wait3A_78 : memref<32x128xf32, #tpu.memory_space<hbm>>) dst(%dma_wait3A_76 : memref<32x128xf32, #tpu.memory_space<vmem>>)
    %scan3A = arith.constant 0.000000e+00 : f32
    %scan3A_79 = arith.constant 0 : i32
    %scan3A_80 = arith.constant 32 : i32
    %scan3A_81 = arith.addi %scan3A_79, %scan3A_80 : i32
    %scan3A_82 = arith.constant 1 : i32
    %scan3A_83 = scf.for %scan3A_227 = %scan3A_79 to %scan3A_81 step %scan3A_82 iter_args(%scan3A_228 = %scan3A) -> (f32)  : i32 {
      %broadcast_in_dim3A_229 = arith.constant 0.000000e+00 : f32
      %broadcast_in_dim3A_230 = vector.broadcast %broadcast_in_dim3A_229 : f32 to vector<16xf32>
      %add3A_231 = arith.constant 0 : i32
      %add3A_232 = arith.addi %add3A_231, %scan3A_227 : i32
      %get3A = arith.index_cast %add3A_232 : i32 to index
      %get3A_233 = arith.constant 0 : index
      %get3A_234 = tpu.vector_load %arg7[%get3A, %get3A_233] {strides = array<i32>} : memref<512x128xf32, #tpu.memory_space<vmem>>, vector<16xf32>,
      %get3A_235 = arith.index_cast %scan3A_227 : i32 to index
      %get3A_236 = arith.constant 0 : index
      %get3A_237 = tpu.vector_load %arg8[%get3A_235, %get3A_236] {strides = array<i32>} : memref<128x128xf32, #tpu.memory_space<vmem>>, vector<16xf32>,
      %sub3A = arith.subf %get3A_234, %get3A_237 : vector<16xf32>
      %mul3A_238 = arith.mulf %sub3A, %sub3A : vector<16xf32>
      %add3A_239 = arith.addf %broadcast_in_dim3A_230, %mul3A_238 : vector<16xf32>
      %add3A_240 = arith.constant 0 : i32
      %add3A_241 = arith.addi %add3A_240, %scan3A_227 : i32
      %get3A_242 = arith.index_cast %add3A_241 : i32 to index
      %get3A_243 = arith.constant 16 : index
      %get3A_244 = tpu.vector_load %arg7[%get3A_242, %get3A_243] {strides = array<i32>} : memref<512x128xf32, #tpu.memory_space<vmem>>, vector<16xf32>,
      %get3A_245 = arith.index_cast %scan3A_227 : i32 to index
      %get3A_246 = arith.constant 16 : index
      %get3A_247 = tpu.vector_load %arg8[%get3A_245, %get3A_246] {strides = array<i32>} : memref<128x128xf32, #tpu.memory_space<vmem>>, vector<16xf32>,
      %sub3A_248 = arith.subf %get3A_244, %get3A_247 : vector<16xf32>
      %mul3A_249 = arith.mulf %sub3A_248, %sub3A_248 : vector<16xf32>
      %add3A_250 = arith.addf %add3A_239, %mul3A_249 : vector<16xf32>
      %add3A_251 = arith.constant 0 : i32
      %add3A_252 = arith.addi %add3A_251, %scan3A_227 : i32
      %get3A_253 = arith.index_cast %add3A_252 : i32 to index
      %get3A_254 = arith.constant 32 : index
      %get3A_255 = tpu.vector_load %arg7[%get3A_253, %get3A_254] {strides = array<i32>} : memref<512x128xf32, #tpu.memory_space<vmem>>, vector<16xf32>,
      %get3A_256 = arith.index_cast %scan3A_227 : i32 to index
      %get3A_257 = arith.constant 32 : index
      %get3A_258 = tpu.vector_load %arg8[%get3A_256, %get3A_257] {strides = array<i32>} : memref<128x128xf32, #tpu.memory_space<vmem>>, vector<16xf32>,
      %sub3A_259 = arith.subf %get3A_255, %get3A_258 : vector<16xf32>
      %mul3A_260 = arith.mulf %sub3A_259, %sub3A_259 : vector<16xf32>
      %add3A_261 = arith.addf %add3A_250, %mul3A_260 : vector<16xf32>
      %add3A_262 = arith.constant 0 : i32
      %add3A_263 = arith.addi %add3A_262, %scan3A_227 : i32
      %get3A_264 = arith.index_cast %add3A_263 : i32 to index
      %get3A_265 = arith.constant 48 : index
      %get3A_266 = tpu.vector_load %arg7[%get3A_264, %get3A_265] {strides = array<i32>} : memref<512x128xf32, #tpu.memory_space<vmem>>, vector<16xf32>,
      %get3A_267 = arith.index_cast %scan3A_227 : i32 to index
      %get3A_268 = arith.constant 48 : index
      %get3A_269 = tpu.vector_load %arg8[%get3A_267, %get3A_268] {strides = array<i32>} : memref<128x128xf32, #tpu.memory_space<vmem>>, vector<16xf32>,
      %sub3A_270 = arith.subf %get3A_266, %get3A_269 : vector<16xf32>
      %mul3A_271 = arith.mulf %sub3A_270, %sub3A_270 : vector<16xf32>
      %add3A_272 = arith.addf %add3A_261, %mul3A_271 : vector<16xf32>
      %add3A_273 = arith.constant 0 : i32
      %add3A_274 = arith.addi %add3A_273, %scan3A_227 : i32
      %get3A_275 = arith.index_cast %add3A_274 : i32 to index
      %get3A_276 = arith.constant 64 : index
      %get3A_277 = tpu.vector_load %arg7[%get3A_275, %get3A_276] {strides = array<i32>} : memref<512x128xf32, #tpu.memory_space<vmem>>, vector<16xf32>,
      %get3A_278 = arith.index_cast %scan3A_227 : i32 to index
      %get3A_279 = arith.constant 64 : index
      %get3A_280 = tpu.vector_load %arg8[%get3A_278, %get3A_279] {strides = array<i32>} : memref<128x128xf32, #tpu.memory_space<vmem>>, vector<16xf32>,
      %sub3A_281 = arith.subf %get3A_277, %get3A_280 : vector<16xf32>
      %mul3A_282 = arith.mulf %sub3A_281, %sub3A_281 : vector<16xf32>
      %add3A_283 = arith.addf %add3A_272, %mul3A_282 : vector<16xf32>
      %add3A_284 = arith.constant 0 : i32
      %add3A_285 = arith.addi %add3A_284, %scan3A_227 : i32
      %get3A_286 = arith.index_cast %add3A_285 : i32 to index
      %get3A_287 = arith.constant 80 : index
      %get3A_288 = tpu.vector_load %arg7[%get3A_286, %get3A_287] {strides = array<i32>} : memref<512x128xf32, #tpu.memory_space<vmem>>, vector<16xf32>,
      %get3A_289 = arith.index_cast %scan3A_227 : i32 to index
      %get3A_290 = arith.constant 80 : index
      %get3A_291 = tpu.vector_load %arg8[%get3A_289, %get3A_290] {strides = array<i32>} : memref<128x128xf32, #tpu.memory_space<vmem>>, vector<16xf32>,
      %sub3A_292 = arith.subf %get3A_288, %get3A_291 : vector<16xf32>
      %mul3A_293 = arith.mulf %sub3A_292, %sub3A_292 : vector<16xf32>
      %add3A_294 = arith.addf %add3A_283, %mul3A_293 : vector<16xf32>
      %add3A_295 = arith.constant 0 : i32
      %add3A_296 = arith.addi %add3A_295, %scan3A_227 : i32
      %get3A_297 = arith.index_cast %add3A_296 : i32 to index
      %get3A_298 = arith.constant 96 : index
      %get3A_299 = tpu.vector_load %arg7[%get3A_297, %get3A_298] {strides = array<i32>} : memref<512x128xf32, #tpu.memory_space<vmem>>, vector<16xf32>,
      %get3A_300 = arith.index_cast %scan3A_227 : i32 to index
      %get3A_301 = arith.constant 96 : index
      %get3A_302 = tpu.vector_load %arg8[%get3A_300, %get3A_301] {strides = array<i32>} : memref<128x128xf32, #tpu.memory_space<vmem>>, vector<16xf32>,
      %sub3A_303 = arith.subf %get3A_299, %get3A_302 : vector<16xf32>
      %mul3A_304 = arith.mulf %sub3A_303, %sub3A_303 : vector<16xf32>
      %add3A_305 = arith.addf %add3A_294, %mul3A_304 : vector<16xf32>
      %add3A_306 = arith.constant 0 : i32
      %add3A_307 = arith.addi %add3A_306, %scan3A_227 : i32
      %get3A_308 = arith.index_cast %add3A_307 : i32 to index
      %get3A_309 = arith.constant 112 : index
      %get3A_310 = tpu.vector_load %arg7[%get3A_308, %get3A_309] {strides = array<i32>} : memref<512x128xf32, #tpu.memory_space<vmem>>, vector<16xf32>,
      %get3A_311 = arith.index_cast %scan3A_227 : i32 to index
      %get3A_312 = arith.constant 112 : index
      %get3A_313 = tpu.vector_load %arg8[%get3A_311, %get3A_312] {strides = array<i32>} : memref<128x128xf32, #tpu.memory_space<vmem>>, vector<16xf32>,
      %sub3A_314 = arith.subf %get3A_310, %get3A_313 : vector<16xf32>
      %mul3A_315 = arith.mulf %sub3A_314, %sub3A_314 : vector<16xf32>
      %add3A_316 = arith.addf %add3A_305, %mul3A_315 : vector<16xf32>
      %reduce_sum3A = arith.constant true
      %reduce_sum3A_317 = vector.broadcast %reduce_sum3A : i1 to vector<16xi1>
      %reduce_sum3A_318 = tpu.scan <sum>, %add3A_316 masked %reduce_sum3A_317 : vector<16xf32>, vector<16xi1> -> vector<16xf32>
      %reduce_sum3A_319 = vector.extract %reduce_sum3A_318[15] : f32 from vector<16xf32>
      %max3A = arith.constant 9.99999996E-13 : f32
      %max3A_320 = arith.maximumf %reduce_sum3A_319, %max3A : f32
      %min3A = arith.constant 9.99999995E+11 : f32
      %min3A_321 = arith.minimumf %max3A_320, %min3A : f32
      %add3A_322 = arith.addf %scan3A_228, %min3A_321 : f32
      scf.yield %add3A_322 : f32
    }
    %scan3A_84 = arith.constant 32 : i32
    %dma_start3A_85 = arith.constant 0 : i32
    %dma_start3A_86 = arith.constant 0 : i32
    %dma_start3A_87 = tpu.memref_slice %arg8[%dma_start3A_85, %dma_start3A_86] : memref<128x128xf32, #tpu.memory_space<vmem>> -> memref<128x128xf32, #tpu.memory_space<vmem>>
    %dma_start3A_88 = arith.constant 256 : i32
    %dma_start3A_89 = tpu.memref_slice %arg6[%dma_start3A_88] : memref<512xi32, #tpu.memory_space<vmem>> -> memref<128xi32, #tpu.memory_space<vmem>>
    %dma_start3A_90 = arith.constant 0 : i32
    %dma_start3A_91 = arith.constant 0 : i32
    %dma_start3A_92 = tpu.memref_slice %arg4[%dma_start3A_90, %dma_start3A_91] : memref<100000x128xf32, #tpu.memory_space<hbm>> -> memref<100000x128xf32, #tpu.memory_space<hbm>>
    tpu.enqueue_indirect_dma source(%dma_start3A_92 : memref<100000x128xf32, #tpu.memory_space<hbm>>) target(%dma_start3A_87 : memref<128x128xf32, #tpu.memory_space<vmem>>) offsets(%dma_start3A_89 : memref<128xi32, #tpu.memory_space<vmem>>) semaphore(%arg12 : memref<!tpu.dma_semaphore, #tpu.memory_space<semaphore_mem>>)
    %add3A_93 = arith.constant 256 : i32
    %add3A_94 = arith.addi %mul3A_2, %add3A_93 : i32
    %dma_start3A_95 = arith.constant 256 : i32
    %dma_start3A_96 = arith.constant 0 : i32
    %dma_start3A_97 = tpu.memref_slice %arg7[%dma_start3A_95, %dma_start3A_96] : memref<512x128xf32, #tpu.memory_space<vmem>> -> memref<128x128xf32, #tpu.memory_space<vmem>>
    %dma_start3A_98 = arith.constant 0 : i32
    %dma_start3A_99 = tpu.memref_slice %arg2[%add3A_94, %dma_start3A_98] : memref<16384x128xf32, #tpu.memory_space<hbm>> -> memref<128x128xf32, #tpu.memory_space<hbm>>
    %dma_start3A_100 = arith.constant 256 : i32
    %dma_start3A_101 = arith.constant 0 : i32
    %dma_start3A_102 = tpu.memref_slice %arg7[%dma_start3A_100, %dma_start3A_101] : memref<512x128xf32, #tpu.memory_space<vmem>> -> memref<128x128xf32, #tpu.memory_space<vmem>>
    %dma_start3A_103 = arith.constant 0 : i32
    %dma_start3A_104 = tpu.memref_slice %arg2[%add3A_94, %dma_start3A_103] : memref<16384x128xf32, #tpu.memory_space<hbm>> -> memref<128x128xf32, #tpu.memory_space<hbm>>
    tpu.enqueue_dma source(%dma_start3A_104 : memref<128x128xf32, #tpu.memory_space<hbm>>) target(%dma_start3A_102 : memref<128x128xf32, #tpu.memory_space<vmem>>) target_semaphore(%arg12 : memref<!tpu.dma_semaphore, #tpu.memory_space<semaphore_mem>>)
    %dma_wait3A_105 = arith.constant 0 : i32
    %dma_wait3A_106 = arith.constant 0 : i32
    %dma_wait3A_107 = tpu.memref_slice %arg9[%dma_wait3A_105, %dma_wait3A_106] : memref<128x128xf32, #tpu.memory_space<vmem>> -> memref<96x128xf32, #tpu.memory_space<vmem>>
    %dma_wait3A_108 = arith.constant 32 : i32
    %dma_wait3A_109 = tpu.memref_slice %arg6[%dma_wait3A_108] : memref<512xi32, #tpu.memory_space<vmem>> -> memref<96xi32, #tpu.memory_space<vmem>>
    %dma_wait3A_110 = arith.constant 0 : i32
    %dma_wait3A_111 = arith.constant 0 : i32
    %dma_wait3A_112 = tpu.memref_slice %arg4[%dma_wait3A_110, %dma_wait3A_111] : memref<100000x128xf32, #tpu.memory_space<hbm>> -> memref<100000x128xf32, #tpu.memory_space<hbm>>
    tpu.wait_indirect_dma semaphore(%arg13 : memref<!tpu.dma_semaphore, #tpu.memory_space<semaphore_mem>>) src(%dma_wait3A_112 : memref<100000x128xf32, #tpu.memory_space<hbm>>) dst(%dma_wait3A_107 : memref<96x128xf32, #tpu.memory_space<vmem>>)
    %dma_wait3A_113 = arith.constant 32 : i32
    %dma_wait3A_114 = arith.constant 0 : i32
    %dma_wait3A_115 = tpu.memref_slice %arg7[%dma_wait3A_113, %dma_wait3A_114] : memref<512x128xf32, #tpu.memory_space<vmem>> -> memref<96x128xf32, #tpu.memory_space<vmem>>
    %dma_wait3A_116 = arith.constant 0 : i32
    %dma_wait3A_117 = tpu.memref_slice %arg2[%add3A_31, %dma_wait3A_116] : memref<16384x128xf32, #tpu.memory_space<hbm>> -> memref<96x128xf32, #tpu.memory_space<hbm>>
    %dma_wait3A_118 = arith.constant 32 : i32
    %dma_wait3A_119 = arith.constant 0 : i32
    %dma_wait3A_120 = tpu.memref_slice %arg7[%dma_wait3A_118, %dma_wait3A_119] : memref<512x128xf32, #tpu.memory_space<vmem>> -> memref<96x128xf32, #tpu.memory_space<vmem>>
    %dma_wait3A_121 = arith.constant 0 : i32
    %dma_wait3A_122 = tpu.memref_slice %arg2[%add3A_31, %dma_wait3A_121] : memref<16384x128xf32, #tpu.memory_space<hbm>> -> memref<96x128xf32, #tpu.memory_space<hbm>>
    tpu.wait_dma2 semaphore(%arg13 : memref<!tpu.dma_semaphore, #tpu.memory_space<semaphore_mem>>) src(%dma_wait3A_122 : memref<96x128xf32, #tpu.memory_space<hbm>>) dst(%dma_wait3A_120 : memref<96x128xf32, #tpu.memory_space<vmem>>)
    %scan3A_123 = arith.constant 0 : i32
    %scan3A_124 = arith.constant 96 : i32
    %scan3A_125 = arith.addi %scan3A_123, %scan3A_124 : i32
    %scan3A_126 = arith.constant 1 : i32
    %scan3A_127 = scf.for %scan3A_227 = %scan3A_123 to %scan3A_125 step %scan3A_126 iter_args(%scan3A_228 = %scan3A_83) -> (f32)  : i32 {
      %broadcast_in_dim3A_229 = arith.constant 0.000000e+00 : f32
      %broadcast_in_dim3A_230 = vector.broadcast %broadcast_in_dim3A_229 : f32 to vector<16xf32>
      %add3A_231 = arith.constant 32 : i32
      %add3A_232 = arith.addi %add3A_231, %scan3A_227 : i32
      %get3A = arith.index_cast %add3A_232 : i32 to index
      %get3A_233 = arith.constant 0 : index
      %get3A_234 = tpu.vector_load %arg7[%get3A, %get3A_233] {strides = array<i32>} : memref<512x128xf32, #tpu.memory_space<vmem>>, vector<16xf32>,
      %get3A_235 = arith.index_cast %scan3A_227 : i32 to index
      %get3A_236 = arith.constant 0 : index
      %get3A_237 = tpu.vector_load %arg9[%get3A_235, %get3A_236] {strides = array<i32>} : memref<128x128xf32, #tpu.memory_space<vmem>>, vector<16xf32>,
      %sub3A = arith.subf %get3A_234, %get3A_237 : vector<16xf32>
      %mul3A_238 = arith.mulf %sub3A, %sub3A : vector<16xf32>
      %add3A_239 = arith.addf %broadcast_in_dim3A_230, %mul3A_238 : vector<16xf32>
      %add3A_240 = arith.constant 32 : i32
      %add3A_241 = arith.addi %add3A_240, %scan3A_227 : i32
      %get3A_242 = arith.index_cast %add3A_241 : i32 to index
      %get3A_243 = arith.constant 16 : index
      %get3A_244 = tpu.vector_load %arg7[%get3A_242, %get3A_243] {strides = array<i32>} : memref<512x128xf32, #tpu.memory_space<vmem>>, vector<16xf32>,
      %get3A_245 = arith.index_cast %scan3A_227 : i32 to index
      %get3A_246 = arith.constant 16 : index
      %get3A_247 = tpu.vector_load %arg9[%get3A_245, %get3A_246] {strides = array<i32>} : memref<128x128xf32, #tpu.memory_space<vmem>>, vector<16xf32>,
      %sub3A_248 = arith.subf %get3A_244, %get3A_247 : vector<16xf32>
      %mul3A_249 = arith.mulf %sub3A_248, %sub3A_248 : vector<16xf32>
      %add3A_250 = arith.addf %add3A_239, %mul3A_249 : vector<16xf32>
      %add3A_251 = arith.constant 32 : i32
      %add3A_252 = arith.addi %add3A_251, %scan3A_227 : i32
      %get3A_253 = arith.index_cast %add3A_252 : i32 to index
      %get3A_254 = arith.constant 32 : index
      %get3A_255 = tpu.vector_load %arg7[%get3A_253, %get3A_254] {strides = array<i32>} : memref<512x128xf32, #tpu.memory_space<vmem>>, vector<16xf32>,
      %get3A_256 = arith.index_cast %scan3A_227 : i32 to index
      %get3A_257 = arith.constant 32 : index
      %get3A_258 = tpu.vector_load %arg9[%get3A_256, %get3A_257] {strides = array<i32>} : memref<128x128xf32, #tpu.memory_space<vmem>>, vector<16xf32>,
      %sub3A_259 = arith.subf %get3A_255, %get3A_258 : vector<16xf32>
      %mul3A_260 = arith.mulf %sub3A_259, %sub3A_259 : vector<16xf32>
      %add3A_261 = arith.addf %add3A_250, %mul3A_260 : vector<16xf32>
      %add3A_262 = arith.constant 32 : i32
      %add3A_263 = arith.addi %add3A_262, %scan3A_227 : i32
      %get3A_264 = arith.index_cast %add3A_263 : i32 to index
      %get3A_265 = arith.constant 48 : index
      %get3A_266 = tpu.vector_load %arg7[%get3A_264, %get3A_265] {strides = array<i32>} : memref<512x128xf32, #tpu.memory_space<vmem>>, vector<16xf32>,
      %get3A_267 = arith.index_cast %scan3A_227 : i32 to index
      %get3A_268 = arith.constant 48 : index
      %get3A_269 = tpu.vector_load %arg9[%get3A_267, %get3A_268] {strides = array<i32>} : memref<128x128xf32, #tpu.memory_space<vmem>>, vector<16xf32>,
      %sub3A_270 = arith.subf %get3A_266, %get3A_269 : vector<16xf32>
      %mul3A_271 = arith.mulf %sub3A_270, %sub3A_270 : vector<16xf32>
      %add3A_272 = arith.addf %add3A_261, %mul3A_271 : vector<16xf32>
      %add3A_273 = arith.constant 32 : i32
      %add3A_274 = arith.addi %add3A_273, %scan3A_227 : i32
      %get3A_275 = arith.index_cast %add3A_274 : i32 to index
      %get3A_276 = arith.constant 64 : index
      %get3A_277 = tpu.vector_load %arg7[%get3A_275, %get3A_276] {strides = array<i32>} : memref<512x128xf32, #tpu.memory_space<vmem>>, vector<16xf32>,
      %get3A_278 = arith.index_cast %scan3A_227 : i32 to index
      %get3A_279 = arith.constant 64 : index
      %get3A_280 = tpu.vector_load %arg9[%get3A_278, %get3A_279] {strides = array<i32>} : memref<128x128xf32, #tpu.memory_space<vmem>>, vector<16xf32>,
      %sub3A_281 = arith.subf %get3A_277, %get3A_280 : vector<16xf32>
      %mul3A_282 = arith.mulf %sub3A_281, %sub3A_281 : vector<16xf32>
      %add3A_283 = arith.addf %add3A_272, %mul3A_282 : vector<16xf32>
      %add3A_284 = arith.constant 32 : i32
      %add3A_285 = arith.addi %add3A_284, %scan3A_227 : i32
      %get3A_286 = arith.index_cast %add3A_285 : i32 to index
      %get3A_287 = arith.constant 80 : index
      %get3A_288 = tpu.vector_load %arg7[%get3A_286, %get3A_287] {strides = array<i32>} : memref<512x128xf32, #tpu.memory_space<vmem>>, vector<16xf32>,
      %get3A_289 = arith.index_cast %scan3A_227 : i32 to index
      %get3A_290 = arith.constant 80 : index
      %get3A_291 = tpu.vector_load %arg9[%get3A_289, %get3A_290] {strides = array<i32>} : memref<128x128xf32, #tpu.memory_space<vmem>>, vector<16xf32>,
      %sub3A_292 = arith.subf %get3A_288, %get3A_291 : vector<16xf32>
      %mul3A_293 = arith.mulf %sub3A_292, %sub3A_292 : vector<16xf32>
      %add3A_294 = arith.addf %add3A_283, %mul3A_293 : vector<16xf32>
      %add3A_295 = arith.constant 32 : i32
      %add3A_296 = arith.addi %add3A_295, %scan3A_227 : i32
      %get3A_297 = arith.index_cast %add3A_296 : i32 to index
      %get3A_298 = arith.constant 96 : index
      %get3A_299 = tpu.vector_load %arg7[%get3A_297, %get3A_298] {strides = array<i32>} : memref<512x128xf32, #tpu.memory_space<vmem>>, vector<16xf32>,
      %get3A_300 = arith.index_cast %scan3A_227 : i32 to index
      %get3A_301 = arith.constant 96 : index
      %get3A_302 = tpu.vector_load %arg9[%get3A_300, %get3A_301] {strides = array<i32>} : memref<128x128xf32, #tpu.memory_space<vmem>>, vector<16xf32>,
      %sub3A_303 = arith.subf %get3A_299, %get3A_302 : vector<16xf32>
      %mul3A_304 = arith.mulf %sub3A_303, %sub3A_303 : vector<16xf32>
      %add3A_305 = arith.addf %add3A_294, %mul3A_304 : vector<16xf32>
      %add3A_306 = arith.constant 32 : i32
      %add3A_307 = arith.addi %add3A_306, %scan3A_227 : i32
      %get3A_308 = arith.index_cast %add3A_307 : i32 to index
      %get3A_309 = arith.constant 112 : index
      %get3A_310 = tpu.vector_load %arg7[%get3A_308, %get3A_309] {strides = array<i32>} : memref<512x128xf32, #tpu.memory_space<vmem>>, vector<16xf32>,
      %get3A_311 = arith.index_cast %scan3A_227 : i32 to index
      %get3A_312 = arith.constant 112 : index
      %get3A_313 = tpu.vector_load %arg9[%get3A_311, %get3A_312] {strides = array<i32>} : memref<128x128xf32, #tpu.memory_space<vmem>>, vector<16xf32>,
      %sub3A_314 = arith.subf %get3A_310, %get3A_313 : vector<16xf32>
      %mul3A_315 = arith.mulf %sub3A_314, %sub3A_314 : vector<16xf32>
      %add3A_316 = arith.addf %add3A_305, %mul3A_315 : vector<16xf32>
      %reduce_sum3A = arith.constant true
      %reduce_sum3A_317 = vector.broadcast %reduce_sum3A : i1 to vector<16xi1>
      %reduce_sum3A_318 = tpu.scan <sum>, %add3A_316 masked %reduce_sum3A_317 : vector<16xf32>, vector<16xi1> -> vector<16xf32>
      %reduce_sum3A_319 = vector.extract %reduce_sum3A_318[15] : f32 from vector<16xf32>
      %max3A = arith.constant 9.99999996E-13 : f32
      %max3A_320 = arith.maximumf %reduce_sum3A_319, %max3A : f32
      %min3A = arith.constant 9.99999995E+11 : f32
      %min3A_321 = arith.minimumf %max3A_320, %min3A : f32
      %add3A_322 = arith.addf %scan3A_228, %min3A_321 : f32
      scf.yield %add3A_322 : f32
    }
    %scan3A_128 = arith.constant 96 : i32
    %dma_start3A_129 = arith.constant 0 : i32
    %dma_start3A_130 = arith.constant 0 : i32
    %dma_start3A_131 = tpu.memref_slice %arg9[%dma_start3A_129, %dma_start3A_130] : memref<128x128xf32, #tpu.memory_space<vmem>> -> memref<128x128xf32, #tpu.memory_space<vmem>>
    %dma_start3A_132 = arith.constant 384 : i32
    %dma_start3A_133 = tpu.memref_slice %arg6[%dma_start3A_132] : memref<512xi32, #tpu.memory_space<vmem>> -> memref<128xi32, #tpu.memory_space<vmem>>
    %dma_start3A_134 = arith.constant 0 : i32
    %dma_start3A_135 = arith.constant 0 : i32
    %dma_start3A_136 = tpu.memref_slice %arg4[%dma_start3A_134, %dma_start3A_135] : memref<100000x128xf32, #tpu.memory_space<hbm>> -> memref<100000x128xf32, #tpu.memory_space<hbm>>
    tpu.enqueue_indirect_dma source(%dma_start3A_136 : memref<100000x128xf32, #tpu.memory_space<hbm>>) target(%dma_start3A_131 : memref<128x128xf32, #tpu.memory_space<vmem>>) offsets(%dma_start3A_133 : memref<128xi32, #tpu.memory_space<vmem>>) semaphore(%arg13 : memref<!tpu.dma_semaphore, #tpu.memory_space<semaphore_mem>>)
    %add3A_137 = arith.constant 384 : i32
    %add3A_138 = arith.addi %mul3A_2, %add3A_137 : i32
    %dma_start3A_139 = arith.constant 384 : i32
    %dma_start3A_140 = arith.constant 0 : i32
    %dma_start3A_141 = tpu.memref_slice %arg7[%dma_start3A_139, %dma_start3A_140] : memref<512x128xf32, #tpu.memory_space<vmem>> -> memref<128x128xf32, #tpu.memory_space<vmem>>
    %dma_start3A_142 = arith.constant 0 : i32
    %dma_start3A_143 = tpu.memref_slice %arg2[%add3A_138, %dma_start3A_142] : memref<16384x128xf32, #tpu.memory_space<hbm>> -> memref<128x128xf32, #tpu.memory_space<hbm>>
    %dma_start3A_144 = arith.constant 384 : i32
    %dma_start3A_145 = arith.constant 0 : i32
    %dma_start3A_146 = tpu.memref_slice %arg7[%dma_start3A_144, %dma_start3A_145] : memref<512x128xf32, #tpu.memory_space<vmem>> -> memref<128x128xf32, #tpu.memory_space<vmem>>
    %dma_start3A_147 = arith.constant 0 : i32
    %dma_start3A_148 = tpu.memref_slice %arg2[%add3A_138, %dma_start3A_147] : memref<16384x128xf32, #tpu.memory_space<hbm>> -> memref<128x128xf32, #tpu.memory_space<hbm>>
    tpu.enqueue_dma source(%dma_start3A_148 : memref<128x128xf32, #tpu.memory_space<hbm>>) target(%dma_start3A_146 : memref<128x128xf32, #tpu.memory_space<vmem>>) target_semaphore(%arg13 : memref<!tpu.dma_semaphore, #tpu.memory_space<semaphore_mem>>)
    %dma_wait3A_149 = arith.constant 0 : i32
    %dma_wait3A_150 = arith.constant 0 : i32
    %dma_wait3A_151 = tpu.memref_slice %arg10[%dma_wait3A_149, %dma_wait3A_150] : memref<128x128xf32, #tpu.memory_space<vmem>> -> memref<128x128xf32, #tpu.memory_space<vmem>>
    %dma_wait3A_152 = arith.constant 128 : i32
    %dma_wait3A_153 = tpu.memref_slice %arg6[%dma_wait3A_152] : memref<512xi32, #tpu.memory_space<vmem>> -> memref<128xi32, #tpu.memory_space<vmem>>
    %dma_wait3A_154 = arith.constant 0 : i32
    %dma_wait3A_155 = arith.constant 0 : i32
    %dma_wait3A_156 = tpu.memref_slice %arg4[%dma_wait3A_154, %dma_wait3A_155] : memref<100000x128xf32, #tpu.memory_space<hbm>> -> memref<100000x128xf32, #tpu.memory_space<hbm>>
    tpu.wait_indirect_dma semaphore(%arg14 : memref<!tpu.dma_semaphore, #tpu.memory_space<semaphore_mem>>) src(%dma_wait3A_156 : memref<100000x128xf32, #tpu.memory_space<hbm>>) dst(%dma_wait3A_151 : memref<128x128xf32, #tpu.memory_space<vmem>>)
    %dma_wait3A_157 = arith.constant 128 : i32
    %dma_wait3A_158 = arith.constant 0 : i32
    %dma_wait3A_159 = tpu.memref_slice %arg7[%dma_wait3A_157, %dma_wait3A_158] : memref<512x128xf32, #tpu.memory_space<vmem>> -> memref<128x128xf32, #tpu.memory_space<vmem>>
    %dma_wait3A_160 = arith.constant 0 : i32
    %dma_wait3A_161 = tpu.memref_slice %arg2[%add3A_51, %dma_wait3A_160] : memref<16384x128xf32, #tpu.memory_space<hbm>> -> memref<128x128xf32, #tpu.memory_space<hbm>>
    %dma_wait3A_162 = arith.constant 128 : i32
    %dma_wait3A_163 = arith.constant 0 : i32
    %dma_wait3A_164 = tpu.memref_slice %arg7[%dma_wait3A_162, %dma_wait3A_163] : memref<512x128xf32, #tpu.memory_space<vmem>> -> memref<128x128xf32, #tpu.memory_space<vmem>>
    %dma_wait3A_165 = arith.constant 0 : i32
    %dma_wait3A_166 = tpu.memref_slice %arg2[%add3A_51, %dma_wait3A_165] : memref<16384x128xf32, #tpu.memory_space<hbm>> -> memref<128x128xf32, #tpu.memory_space<hbm>>
    tpu.wait_dma2 semaphore(%arg14 : memref<!tpu.dma_semaphore, #tpu.memory_space<semaphore_mem>>) src(%dma_wait3A_166 : memref<128x128xf32, #tpu.memory_space<hbm>>) dst(%dma_wait3A_164 : memref<128x128xf32, #tpu.memory_space<vmem>>)
    %scan3A_167 = arith.constant 0 : i32
    %scan3A_168 = arith.constant 128 : i32
    %scan3A_169 = arith.addi %scan3A_167, %scan3A_168 : i32
    %scan3A_170 = arith.constant 1 : i32
    %scan3A_171 = scf.for %scan3A_227 = %scan3A_167 to %scan3A_169 step %scan3A_170 iter_args(%scan3A_228 = %scan3A_127) -> (f32)  : i32 {
      %broadcast_in_dim3A_229 = arith.constant 0.000000e+00 : f32
      %broadcast_in_dim3A_230 = vector.broadcast %broadcast_in_dim3A_229 : f32 to vector<16xf32>
      %add3A_231 = arith.constant 128 : i32
      %add3A_232 = arith.addi %add3A_231, %scan3A_227 : i32
      %get3A = arith.index_cast %add3A_232 : i32 to index
      %get3A_233 = arith.constant 0 : index
      %get3A_234 = tpu.vector_load %arg7[%get3A, %get3A_233] {strides = array<i32>} : memref<512x128xf32, #tpu.memory_space<vmem>>, vector<16xf32>,
      %get3A_235 = arith.index_cast %scan3A_227 : i32 to index
      %get3A_236 = arith.constant 0 : index
      %get3A_237 = tpu.vector_load %arg10[%get3A_235, %get3A_236] {strides = array<i32>} : memref<128x128xf32, #tpu.memory_space<vmem>>, vector<16xf32>,
      %sub3A = arith.subf %get3A_234, %get3A_237 : vector<16xf32>
      %mul3A_238 = arith.mulf %sub3A, %sub3A : vector<16xf32>
      %add3A_239 = arith.addf %broadcast_in_dim3A_230, %mul3A_238 : vector<16xf32>
      %add3A_240 = arith.constant 128 : i32
      %add3A_241 = arith.addi %add3A_240, %scan3A_227 : i32
      %get3A_242 = arith.index_cast %add3A_241 : i32 to index
      %get3A_243 = arith.constant 16 : index
      %get3A_244 = tpu.vector_load %arg7[%get3A_242, %get3A_243] {strides = array<i32>} : memref<512x128xf32, #tpu.memory_space<vmem>>, vector<16xf32>,
      %get3A_245 = arith.index_cast %scan3A_227 : i32 to index
      %get3A_246 = arith.constant 16 : index
      %get3A_247 = tpu.vector_load %arg10[%get3A_245, %get3A_246] {strides = array<i32>} : memref<128x128xf32, #tpu.memory_space<vmem>>, vector<16xf32>,
      %sub3A_248 = arith.subf %get3A_244, %get3A_247 : vector<16xf32>
      %mul3A_249 = arith.mulf %sub3A_248, %sub3A_248 : vector<16xf32>
      %add3A_250 = arith.addf %add3A_239, %mul3A_249 : vector<16xf32>
      %add3A_251 = arith.constant 128 : i32
      %add3A_252 = arith.addi %add3A_251, %scan3A_227 : i32
      %get3A_253 = arith.index_cast %add3A_252 : i32 to index
      %get3A_254 = arith.constant 32 : index
      %get3A_255 = tpu.vector_load %arg7[%get3A_253, %get3A_254] {strides = array<i32>} : memref<512x128xf32, #tpu.memory_space<vmem>>, vector<16xf32>,
      %get3A_256 = arith.index_cast %scan3A_227 : i32 to index
      %get3A_257 = arith.constant 32 : index
      %get3A_258 = tpu.vector_load %arg10[%get3A_256, %get3A_257] {strides = array<i32>} : memref<128x128xf32, #tpu.memory_space<vmem>>, vector<16xf32>,
      %sub3A_259 = arith.subf %get3A_255, %get3A_258 : vector<16xf32>
      %mul3A_260 = arith.mulf %sub3A_259, %sub3A_259 : vector<16xf32>
      %add3A_261 = arith.addf %add3A_250, %mul3A_260 : vector<16xf32>
      %add3A_262 = arith.constant 128 : i32
      %add3A_263 = arith.addi %add3A_262, %scan3A_227 : i32
      %get3A_264 = arith.index_cast %add3A_263 : i32 to index
      %get3A_265 = arith.constant 48 : index
      %get3A_266 = tpu.vector_load %arg7[%get3A_264, %get3A_265] {strides = array<i32>} : memref<512x128xf32, #tpu.memory_space<vmem>>, vector<16xf32>,
      %get3A_267 = arith.index_cast %scan3A_227 : i32 to index
      %get3A_268 = arith.constant 48 : index
      %get3A_269 = tpu.vector_load %arg10[%get3A_267, %get3A_268] {strides = array<i32>} : memref<128x128xf32, #tpu.memory_space<vmem>>, vector<16xf32>,
      %sub3A_270 = arith.subf %get3A_266, %get3A_269 : vector<16xf32>
      %mul3A_271 = arith.mulf %sub3A_270, %sub3A_270 : vector<16xf32>
      %add3A_272 = arith.addf %add3A_261, %mul3A_271 : vector<16xf32>
      %add3A_273 = arith.constant 128 : i32
      %add3A_274 = arith.addi %add3A_273, %scan3A_227 : i32
      %get3A_275 = arith.index_cast %add3A_274 : i32 to index
      %get3A_276 = arith.constant 64 : index
      %get3A_277 = tpu.vector_load %arg7[%get3A_275, %get3A_276] {strides = array<i32>} : memref<512x128xf32, #tpu.memory_space<vmem>>, vector<16xf32>,
      %get3A_278 = arith.index_cast %scan3A_227 : i32 to index
      %get3A_279 = arith.constant 64 : index
      %get3A_280 = tpu.vector_load %arg10[%get3A_278, %get3A_279] {strides = array<i32>} : memref<128x128xf32, #tpu.memory_space<vmem>>, vector<16xf32>,
      %sub3A_281 = arith.subf %get3A_277, %get3A_280 : vector<16xf32>
      %mul3A_282 = arith.mulf %sub3A_281, %sub3A_281 : vector<16xf32>
      %add3A_283 = arith.addf %add3A_272, %mul3A_282 : vector<16xf32>
      %add3A_284 = arith.constant 128 : i32
      %add3A_285 = arith.addi %add3A_284, %scan3A_227 : i32
      %get3A_286 = arith.index_cast %add3A_285 : i32 to index
      %get3A_287 = arith.constant 80 : index
      %get3A_288 = tpu.vector_load %arg7[%get3A_286, %get3A_287] {strides = array<i32>} : memref<512x128xf32, #tpu.memory_space<vmem>>, vector<16xf32>,
      %get3A_289 = arith.index_cast %scan3A_227 : i32 to index
      %get3A_290 = arith.constant 80 : index
      %get3A_291 = tpu.vector_load %arg10[%get3A_289, %get3A_290] {strides = array<i32>} : memref<128x128xf32, #tpu.memory_space<vmem>>, vector<16xf32>,
      %sub3A_292 = arith.subf %get3A_288, %get3A_291 : vector<16xf32>
      %mul3A_293 = arith.mulf %sub3A_292, %sub3A_292 : vector<16xf32>
      %add3A_294 = arith.addf %add3A_283, %mul3A_293 : vector<16xf32>
      %add3A_295 = arith.constant 128 : i32
      %add3A_296 = arith.addi %add3A_295, %scan3A_227 : i32
      %get3A_297 = arith.index_cast %add3A_296 : i32 to index
      %get3A_298 = arith.constant 96 : index
      %get3A_299 = tpu.vector_load %arg7[%get3A_297, %get3A_298] {strides = array<i32>} : memref<512x128xf32, #tpu.memory_space<vmem>>, vector<16xf32>,
      %get3A_300 = arith.index_cast %scan3A_227 : i32 to index
      %get3A_301 = arith.constant 96 : index
      %get3A_302 = tpu.vector_load %arg10[%get3A_300, %get3A_301] {strides = array<i32>} : memref<128x128xf32, #tpu.memory_space<vmem>>, vector<16xf32>,
      %sub3A_303 = arith.subf %get3A_299, %get3A_302 : vector<16xf32>
      %mul3A_304 = arith.mulf %sub3A_303, %sub3A_303 : vector<16xf32>
      %add3A_305 = arith.addf %add3A_294, %mul3A_304 : vector<16xf32>
      %add3A_306 = arith.constant 128 : i32
      %add3A_307 = arith.addi %add3A_306, %scan3A_227 : i32
      %get3A_308 = arith.index_cast %add3A_307 : i32 to index
      %get3A_309 = arith.constant 112 : index
      %get3A_310 = tpu.vector_load %arg7[%get3A_308, %get3A_309] {strides = array<i32>} : memref<512x128xf32, #tpu.memory_space<vmem>>, vector<16xf32>,
      %get3A_311 = arith.index_cast %scan3A_227 : i32 to index
      %get3A_312 = arith.constant 112 : index
      %get3A_313 = tpu.vector_load %arg10[%get3A_311, %get3A_312] {strides = array<i32>} : memref<128x128xf32, #tpu.memory_space<vmem>>, vector<16xf32>,
      %sub3A_314 = arith.subf %get3A_310, %get3A_313 : vector<16xf32>
      %mul3A_315 = arith.mulf %sub3A_314, %sub3A_314 : vector<16xf32>
      %add3A_316 = arith.addf %add3A_305, %mul3A_315 : vector<16xf32>
      %reduce_sum3A = arith.constant true
      %reduce_sum3A_317 = vector.broadcast %reduce_sum3A : i1 to vector<16xi1>
      %reduce_sum3A_318 = tpu.scan <sum>, %add3A_316 masked %reduce_sum3A_317 : vector<16xf32>, vector<16xi1> -> vector<16xf32>
      %reduce_sum3A_319 = vector.extract %reduce_sum3A_318[15] : f32 from vector<16xf32>
      %max3A = arith.constant 9.99999996E-13 : f32
      %max3A_320 = arith.maximumf %reduce_sum3A_319, %max3A : f32
      %min3A = arith.constant 9.99999995E+11 : f32
      %min3A_321 = arith.minimumf %max3A_320, %min3A : f32
      %add3A_322 = arith.addf %scan3A_228, %min3A_321 : f32
      scf.yield %add3A_322 : f32
    }
    %scan3A_172 = arith.constant 128 : i32
    %dma_wait3A_173 = arith.constant 0 : i32
    %dma_wait3A_174 = arith.constant 0 : i32
    %dma_wait3A_175 = tpu.memref_slice %arg8[%dma_wait3A_173, %dma_wait3A_174] : memref<128x128xf32, #tpu.memory_space<vmem>> -> memref<128x128xf32, #tpu.memory_space<vmem>>
    %dma_wait3A_176 = arith.constant 256 : i32
    %dma_wait3A_177 = tpu.memref_slice %arg6[%dma_wait3A_176] : memref<512xi32, #tpu.memory_space<vmem>> -> memref<128xi32, #tpu.memory_space<vmem>>
    %dma_wait3A_178 = arith.constant 0 : i32
    %dma_wait3A_179 = arith.constant 0 : i32
    %dma_wait3A_180 = tpu.memref_slice %arg4[%dma_wait3A_178, %dma_wait3A_179] : memref<100000x128xf32, #tpu.memory_space<hbm>> -> memref<100000x128xf32, #tpu.memory_space<hbm>>
    tpu.wait_indirect_dma semaphore(%arg12 : memref<!tpu.dma_semaphore, #tpu.memory_space<semaphore_mem>>) src(%dma_wait3A_180 : memref<100000x128xf32, #tpu.memory_space<hbm>>) dst(%dma_wait3A_175 : memref<128x128xf32, #tpu.memory_space<vmem>>)
    %dma_wait3A_181 = arith.constant 256 : i32
    %dma_wait3A_182 = arith.constant 0 : i32
    %dma_wait3A_183 = tpu.memref_slice %arg7[%dma_wait3A_181, %dma_wait3A_182] : memref<512x128xf32, #tpu.memory_space<vmem>> -> memref<128x128xf32, #tpu.memory_space<vmem>>
    %dma_wait3A_184 = arith.constant 0 : i32
    %dma_wait3A_185 = tpu.memref_slice %arg2[%add3A_94, %dma_wait3A_184] : memref<16384x128xf32, #tpu.memory_space<hbm>> -> memref<128x128xf32, #tpu.memory_space<hbm>>
    %dma_wait3A_186 = arith.constant 256 : i32
    %dma_wait3A_187 = arith.constant 0 : i32
    %dma_wait3A_188 = tpu.memref_slice %arg7[%dma_wait3A_186, %dma_wait3A_187] : memref<512x128xf32, #tpu.memory_space<vmem>> -> memref<128x128xf32, #tpu.memory_space<vmem>>
    %dma_wait3A_189 = arith.constant 0 : i32
    %dma_wait3A_190 = tpu.memref_slice %arg2[%add3A_94, %dma_wait3A_189] : memref<16384x128xf32, #tpu.memory_space<hbm>> -> memref<128x128xf32, #tpu.memory_space<hbm>>
    tpu.wait_dma2 semaphore(%arg12 : memref<!tpu.dma_semaphore, #tpu.memory_space<semaphore_mem>>) src(%dma_wait3A_190 : memref<128x128xf32, #tpu.memory_space<hbm>>) dst(%dma_wait3A_188 : memref<128x128xf32, #tpu.memory_space<vmem>>)
    %scan3A_191 = arith.constant 0 : i32
    %scan3A_192 = arith.constant 128 : i32
    %scan3A_193 = arith.addi %scan3A_191, %scan3A_192 : i32
    %scan3A_194 = arith.constant 1 : i32
    %scan3A_195 = scf.for %scan3A_227 = %scan3A_191 to %scan3A_193 step %scan3A_194 iter_args(%scan3A_228 = %scan3A_171) -> (f32)  : i32 {
      %broadcast_in_dim3A_229 = arith.constant 0.000000e+00 : f32
      %broadcast_in_dim3A_230 = vector.broadcast %broadcast_in_dim3A_229 : f32 to vector<16xf32>
      %add3A_231 = arith.constant 256 : i32
      %add3A_232 = arith.addi %add3A_231, %scan3A_227 : i32
      %get3A = arith.index_cast %add3A_232 : i32 to index
      %get3A_233 = arith.constant 0 : index
      %get3A_234 = tpu.vector_load %arg7[%get3A, %get3A_233] {strides = array<i32>} : memref<512x128xf32, #tpu.memory_space<vmem>>, vector<16xf32>,
      %get3A_235 = arith.index_cast %scan3A_227 : i32 to index
      %get3A_236 = arith.constant 0 : index
      %get3A_237 = tpu.vector_load %arg8[%get3A_235, %get3A_236] {strides = array<i32>} : memref<128x128xf32, #tpu.memory_space<vmem>>, vector<16xf32>,
      %sub3A = arith.subf %get3A_234, %get3A_237 : vector<16xf32>
      %mul3A_238 = arith.mulf %sub3A, %sub3A : vector<16xf32>
      %add3A_239 = arith.addf %broadcast_in_dim3A_230, %mul3A_238 : vector<16xf32>
      %add3A_240 = arith.constant 256 : i32
      %add3A_241 = arith.addi %add3A_240, %scan3A_227 : i32
      %get3A_242 = arith.index_cast %add3A_241 : i32 to index
      %get3A_243 = arith.constant 16 : index
      %get3A_244 = tpu.vector_load %arg7[%get3A_242, %get3A_243] {strides = array<i32>} : memref<512x128xf32, #tpu.memory_space<vmem>>, vector<16xf32>,
      %get3A_245 = arith.index_cast %scan3A_227 : i32 to index
      %get3A_246 = arith.constant 16 : index
      %get3A_247 = tpu.vector_load %arg8[%get3A_245, %get3A_246] {strides = array<i32>} : memref<128x128xf32, #tpu.memory_space<vmem>>, vector<16xf32>,
      %sub3A_248 = arith.subf %get3A_244, %get3A_247 : vector<16xf32>
      %mul3A_249 = arith.mulf %sub3A_248, %sub3A_248 : vector<16xf32>
      %add3A_250 = arith.addf %add3A_239, %mul3A_249 : vector<16xf32>
      %add3A_251 = arith.constant 256 : i32
      %add3A_252 = arith.addi %add3A_251, %scan3A_227 : i32
      %get3A_253 = arith.index_cast %add3A_252 : i32 to index
      %get3A_254 = arith.constant 32 : index
      %get3A_255 = tpu.vector_load %arg7[%get3A_253, %get3A_254] {strides = array<i32>} : memref<512x128xf32, #tpu.memory_space<vmem>>, vector<16xf32>,
      %get3A_256 = arith.index_cast %scan3A_227 : i32 to index
      %get3A_257 = arith.constant 32 : index
      %get3A_258 = tpu.vector_load %arg8[%get3A_256, %get3A_257] {strides = array<i32>} : memref<128x128xf32, #tpu.memory_space<vmem>>, vector<16xf32>,
      %sub3A_259 = arith.subf %get3A_255, %get3A_258 : vector<16xf32>
      %mul3A_260 = arith.mulf %sub3A_259, %sub3A_259 : vector<16xf32>
      %add3A_261 = arith.addf %add3A_250, %mul3A_260 : vector<16xf32>
      %add3A_262 = arith.constant 256 : i32
      %add3A_263 = arith.addi %add3A_262, %scan3A_227 : i32
      %get3A_264 = arith.index_cast %add3A_263 : i32 to index
      %get3A_265 = arith.constant 48 : index
      %get3A_266 = tpu.vector_load %arg7[%get3A_264, %get3A_265] {strides = array<i32>} : memref<512x128xf32, #tpu.memory_space<vmem>>, vector<16xf32>,
      %get3A_267 = arith.index_cast %scan3A_227 : i32 to index
      %get3A_268 = arith.constant 48 : index
      %get3A_269 = tpu.vector_load %arg8[%get3A_267, %get3A_268] {strides = array<i32>} : memref<128x128xf32, #tpu.memory_space<vmem>>, vector<16xf32>,
      %sub3A_270 = arith.subf %get3A_266, %get3A_269 : vector<16xf32>
      %mul3A_271 = arith.mulf %sub3A_270, %sub3A_270 : vector<16xf32>
      %add3A_272 = arith.addf %add3A_261, %mul3A_271 : vector<16xf32>
      %add3A_273 = arith.constant 256 : i32
      %add3A_274 = arith.addi %add3A_273, %scan3A_227 : i32
      %get3A_275 = arith.index_cast %add3A_274 : i32 to index
      %get3A_276 = arith.constant 64 : index
      %get3A_277 = tpu.vector_load %arg7[%get3A_275, %get3A_276] {strides = array<i32>} : memref<512x128xf32, #tpu.memory_space<vmem>>, vector<16xf32>,
      %get3A_278 = arith.index_cast %scan3A_227 : i32 to index
      %get3A_279 = arith.constant 64 : index
      %get3A_280 = tpu.vector_load %arg8[%get3A_278, %get3A_279] {strides = array<i32>} : memref<128x128xf32, #tpu.memory_space<vmem>>, vector<16xf32>,
      %sub3A_281 = arith.subf %get3A_277, %get3A_280 : vector<16xf32>
      %mul3A_282 = arith.mulf %sub3A_281, %sub3A_281 : vector<16xf32>
      %add3A_283 = arith.addf %add3A_272, %mul3A_282 : vector<16xf32>
      %add3A_284 = arith.constant 256 : i32
      %add3A_285 = arith.addi %add3A_284, %scan3A_227 : i32
      %get3A_286 = arith.index_cast %add3A_285 : i32 to index
      %get3A_287 = arith.constant 80 : index
      %get3A_288 = tpu.vector_load %arg7[%get3A_286, %get3A_287] {strides = array<i32>} : memref<512x128xf32, #tpu.memory_space<vmem>>, vector<16xf32>,
      %get3A_289 = arith.index_cast %scan3A_227 : i32 to index
      %get3A_290 = arith.constant 80 : index
      %get3A_291 = tpu.vector_load %arg8[%get3A_289, %get3A_290] {strides = array<i32>} : memref<128x128xf32, #tpu.memory_space<vmem>>, vector<16xf32>,
      %sub3A_292 = arith.subf %get3A_288, %get3A_291 : vector<16xf32>
      %mul3A_293 = arith.mulf %sub3A_292, %sub3A_292 : vector<16xf32>
      %add3A_294 = arith.addf %add3A_283, %mul3A_293 : vector<16xf32>
      %add3A_295 = arith.constant 256 : i32
      %add3A_296 = arith.addi %add3A_295, %scan3A_227 : i32
      %get3A_297 = arith.index_cast %add3A_296 : i32 to index
      %get3A_298 = arith.constant 96 : index
      %get3A_299 = tpu.vector_load %arg7[%get3A_297, %get3A_298] {strides = array<i32>} : memref<512x128xf32, #tpu.memory_space<vmem>>, vector<16xf32>,
      %get3A_300 = arith.index_cast %scan3A_227 : i32 to index
      %get3A_301 = arith.constant 96 : index
      %get3A_302 = tpu.vector_load %arg8[%get3A_300, %get3A_301] {strides = array<i32>} : memref<128x128xf32, #tpu.memory_space<vmem>>, vector<16xf32>,
      %sub3A_303 = arith.subf %get3A_299, %get3A_302 : vector<16xf32>
      %mul3A_304 = arith.mulf %sub3A_303, %sub3A_303 : vector<16xf32>
      %add3A_305 = arith.addf %add3A_294, %mul3A_304 : vector<16xf32>
      %add3A_306 = arith.constant 256 : i32
      %add3A_307 = arith.addi %add3A_306, %scan3A_227 : i32
      %get3A_308 = arith.index_cast %add3A_307 : i32 to index
      %get3A_309 = arith.constant 112 : index
      %get3A_310 = tpu.vector_load %arg7[%get3A_308, %get3A_309] {strides = array<i32>} : memref<512x128xf32, #tpu.memory_space<vmem>>, vector<16xf32>,
      %get3A_311 = arith.index_cast %scan3A_227 : i32 to index
      %get3A_312 = arith.constant 112 : index
      %get3A_313 = tpu.vector_load %arg8[%get3A_311, %get3A_312] {strides = array<i32>} : memref<128x128xf32, #tpu.memory_space<vmem>>, vector<16xf32>,
      %sub3A_314 = arith.subf %get3A_310, %get3A_313 : vector<16xf32>
      %mul3A_315 = arith.mulf %sub3A_314, %sub3A_314 : vector<16xf32>
      %add3A_316 = arith.addf %add3A_305, %mul3A_315 : vector<16xf32>
      %reduce_sum3A = arith.constant true
      %reduce_sum3A_317 = vector.broadcast %reduce_sum3A : i1 to vector<16xi1>
      %reduce_sum3A_318 = tpu.scan <sum>, %add3A_316 masked %reduce_sum3A_317 : vector<16xf32>, vector<16xi1> -> vector<16xf32>
      %reduce_sum3A_319 = vector.extract %reduce_sum3A_318[15] : f32 from vector<16xf32>
      %max3A = arith.constant 9.99999996E-13 : f32
      %max3A_320 = arith.maximumf %reduce_sum3A_319, %max3A : f32
      %min3A = arith.constant 9.99999995E+11 : f32
      %min3A_321 = arith.minimumf %max3A_320, %min3A : f32
      %add3A_322 = arith.addf %scan3A_228, %min3A_321 : f32
      scf.yield %add3A_322 : f32
    }
    %scan3A_196 = arith.constant 128 : i32
    %dma_wait3A_197 = arith.constant 0 : i32
    %dma_wait3A_198 = arith.constant 0 : i32
    %dma_wait3A_199 = tpu.memref_slice %arg9[%dma_wait3A_197, %dma_wait3A_198] : memref<128x128xf32, #tpu.memory_space<vmem>> -> memref<128x128xf32, #tpu.memory_space<vmem>>
    %dma_wait3A_200 = arith.constant 384 : i32
    %dma_wait3A_201 = tpu.memref_slice %arg6[%dma_wait3A_200] : memref<512xi32, #tpu.memory_space<vmem>> -> memref<128xi32, #tpu.memory_space<vmem>>
    %dma_wait3A_202 = arith.constant 0 : i32
    %dma_wait3A_203 = arith.constant 0 : i32
    %dma_wait3A_204 = tpu.memref_slice %arg4[%dma_wait3A_202, %dma_wait3A_203] : memref<100000x128xf32, #tpu.memory_space<hbm>> -> memref<100000x128xf32, #tpu.memory_space<hbm>>
    tpu.wait_indirect_dma semaphore(%arg13 : memref<!tpu.dma_semaphore, #tpu.memory_space<semaphore_mem>>) src(%dma_wait3A_204 : memref<100000x128xf32, #tpu.memory_space<hbm>>) dst(%dma_wait3A_199 : memref<128x128xf32, #tpu.memory_space<vmem>>)
    %dma_wait3A_205 = arith.constant 384 : i32
    %dma_wait3A_206 = arith.constant 0 : i32
    %dma_wait3A_207 = tpu.memref_slice %arg7[%dma_wait3A_205, %dma_wait3A_206] : memref<512x128xf32, #tpu.memory_space<vmem>> -> memref<128x128xf32, #tpu.memory_space<vmem>>
    %dma_wait3A_208 = arith.constant 0 : i32
    %dma_wait3A_209 = tpu.memref_slice %arg2[%add3A_138, %dma_wait3A_208] : memref<16384x128xf32, #tpu.memory_space<hbm>> -> memref<128x128xf32, #tpu.memory_space<hbm>>
    %dma_wait3A_210 = arith.constant 384 : i32
    %dma_wait3A_211 = arith.constant 0 : i32
    %dma_wait3A_212 = tpu.memref_slice %arg7[%dma_wait3A_210, %dma_wait3A_211] : memref<512x128xf32, #tpu.memory_space<vmem>> -> memref<128x128xf32, #tpu.memory_space<vmem>>
    %dma_wait3A_213 = arith.constant 0 : i32
    %dma_wait3A_214 = tpu.memref_slice %arg2[%add3A_138, %dma_wait3A_213] : memref<16384x128xf32, #tpu.memory_space<hbm>> -> memref<128x128xf32, #tpu.memory_space<hbm>>
    tpu.wait_dma2 semaphore(%arg13 : memref<!tpu.dma_semaphore, #tpu.memory_space<semaphore_mem>>) src(%dma_wait3A_214 : memref<128x128xf32, #tpu.memory_space<hbm>>) dst(%dma_wait3A_212 : memref<128x128xf32, #tpu.memory_space<vmem>>)
    %scan3A_215 = arith.constant 0 : i32
    %scan3A_216 = arith.constant 128 : i32
    %scan3A_217 = arith.addi %scan3A_215, %scan3A_216 : i32
    %scan3A_218 = arith.constant 1 : i32
    %scan3A_219 = scf.for %scan3A_227 = %scan3A_215 to %scan3A_217 step %scan3A_218 iter_args(%scan3A_228 = %scan3A_195) -> (f32)  : i32 {
      %broadcast_in_dim3A_229 = arith.constant 0.000000e+00 : f32
      %broadcast_in_dim3A_230 = vector.broadcast %broadcast_in_dim3A_229 : f32 to vector<16xf32>
      %add3A_231 = arith.constant 384 : i32
      %add3A_232 = arith.addi %add3A_231, %scan3A_227 : i32
      %get3A = arith.index_cast %add3A_232 : i32 to index
      %get3A_233 = arith.constant 0 : index
      %get3A_234 = tpu.vector_load %arg7[%get3A, %get3A_233] {strides = array<i32>} : memref<512x128xf32, #tpu.memory_space<vmem>>, vector<16xf32>,
      %get3A_235 = arith.index_cast %scan3A_227 : i32 to index
      %get3A_236 = arith.constant 0 : index
      %get3A_237 = tpu.vector_load %arg9[%get3A_235, %get3A_236] {strides = array<i32>} : memref<128x128xf32, #tpu.memory_space<vmem>>, vector<16xf32>,
      %sub3A = arith.subf %get3A_234, %get3A_237 : vector<16xf32>
      %mul3A_238 = arith.mulf %sub3A, %sub3A : vector<16xf32>
      %add3A_239 = arith.addf %broadcast_in_dim3A_230, %mul3A_238 : vector<16xf32>
      %add3A_240 = arith.constant 384 : i32
      %add3A_241 = arith.addi %add3A_240, %scan3A_227 : i32
      %get3A_242 = arith.index_cast %add3A_241 : i32 to index
      %get3A_243 = arith.constant 16 : index
      %get3A_244 = tpu.vector_load %arg7[%get3A_242, %get3A_243] {strides = array<i32>} : memref<512x128xf32, #tpu.memory_space<vmem>>, vector<16xf32>,
      %get3A_245 = arith.index_cast %scan3A_227 : i32 to index
      %get3A_246 = arith.constant 16 : index
      %get3A_247 = tpu.vector_load %arg9[%get3A_245, %get3A_246] {strides = array<i32>} : memref<128x128xf32, #tpu.memory_space<vmem>>, vector<16xf32>,
      %sub3A_248 = arith.subf %get3A_244, %get3A_247 : vector<16xf32>
      %mul3A_249 = arith.mulf %sub3A_248, %sub3A_248 : vector<16xf32>
      %add3A_250 = arith.addf %add3A_239, %mul3A_249 : vector<16xf32>
      %add3A_251 = arith.constant 384 : i32
      %add3A_252 = arith.addi %add3A_251, %scan3A_227 : i32
      %get3A_253 = arith.index_cast %add3A_252 : i32 to index
      %get3A_254 = arith.constant 32 : index
      %get3A_255 = tpu.vector_load %arg7[%get3A_253, %get3A_254] {strides = array<i32>} : memref<512x128xf32, #tpu.memory_space<vmem>>, vector<16xf32>,
      %get3A_256 = arith.index_cast %scan3A_227 : i32 to index
      %get3A_257 = arith.constant 32 : index
      %get3A_258 = tpu.vector_load %arg9[%get3A_256, %get3A_257] {strides = array<i32>} : memref<128x128xf32, #tpu.memory_space<vmem>>, vector<16xf32>,
      %sub3A_259 = arith.subf %get3A_255, %get3A_258 : vector<16xf32>
      %mul3A_260 = arith.mulf %sub3A_259, %sub3A_259 : vector<16xf32>
      %add3A_261 = arith.addf %add3A_250, %mul3A_260 : vector<16xf32>
      %add3A_262 = arith.constant 384 : i32
      %add3A_263 = arith.addi %add3A_262, %scan3A_227 : i32
      %get3A_264 = arith.index_cast %add3A_263 : i32 to index
      %get3A_265 = arith.constant 48 : index
      %get3A_266 = tpu.vector_load %arg7[%get3A_264, %get3A_265] {strides = array<i32>} : memref<512x128xf32, #tpu.memory_space<vmem>>, vector<16xf32>,
      %get3A_267 = arith.index_cast %scan3A_227 : i32 to index
      %get3A_268 = arith.constant 48 : index
      %get3A_269 = tpu.vector_load %arg9[%get3A_267, %get3A_268] {strides = array<i32>} : memref<128x128xf32, #tpu.memory_space<vmem>>, vector<16xf32>,
      %sub3A_270 = arith.subf %get3A_266, %get3A_269 : vector<16xf32>
      %mul3A_271 = arith.mulf %sub3A_270, %sub3A_270 : vector<16xf32>
      %add3A_272 = arith.addf %add3A_261, %mul3A_271 : vector<16xf32>
      %add3A_273 = arith.constant 384 : i32
      %add3A_274 = arith.addi %add3A_273, %scan3A_227 : i32
      %get3A_275 = arith.index_cast %add3A_274 : i32 to index
      %get3A_276 = arith.constant 64 : index
      %get3A_277 = tpu.vector_load %arg7[%get3A_275, %get3A_276] {strides = array<i32>} : memref<512x128xf32, #tpu.memory_space<vmem>>, vector<16xf32>,
      %get3A_278 = arith.index_cast %scan3A_227 : i32 to index
      %get3A_279 = arith.constant 64 : index
      %get3A_280 = tpu.vector_load %arg9[%get3A_278, %get3A_279] {strides = array<i32>} : memref<128x128xf32, #tpu.memory_space<vmem>>, vector<16xf32>,
      %sub3A_281 = arith.subf %get3A_277, %get3A_280 : vector<16xf32>
      %mul3A_282 = arith.mulf %sub3A_281, %sub3A_281 : vector<16xf32>
      %add3A_283 = arith.addf %add3A_272, %mul3A_282 : vector<16xf32>
      %add3A_284 = arith.constant 384 : i32
      %add3A_285 = arith.addi %add3A_284, %scan3A_227 : i32
      %get3A_286 = arith.index_cast %add3A_285 : i32 to index
      %get3A_287 = arith.constant 80 : index
      %get3A_288 = tpu.vector_load %arg7[%get3A_286, %get3A_287] {strides = array<i32>} : memref<512x128xf32, #tpu.memory_space<vmem>>, vector<16xf32>,
      %get3A_289 = arith.index_cast %scan3A_227 : i32 to index
      %get3A_290 = arith.constant 80 : index
      %get3A_291 = tpu.vector_load %arg9[%get3A_289, %get3A_290] {strides = array<i32>} : memref<128x128xf32, #tpu.memory_space<vmem>>, vector<16xf32>,
      %sub3A_292 = arith.subf %get3A_288, %get3A_291 : vector<16xf32>
      %mul3A_293 = arith.mulf %sub3A_292, %sub3A_292 : vector<16xf32>
      %add3A_294 = arith.addf %add3A_283, %mul3A_293 : vector<16xf32>
      %add3A_295 = arith.constant 384 : i32
      %add3A_296 = arith.addi %add3A_295, %scan3A_227 : i32
      %get3A_297 = arith.index_cast %add3A_296 : i32 to index
      %get3A_298 = arith.constant 96 : index
      %get3A_299 = tpu.vector_load %arg7[%get3A_297, %get3A_298] {strides = array<i32>} : memref<512x128xf32, #tpu.memory_space<vmem>>, vector<16xf32>,
      %get3A_300 = arith.index_cast %scan3A_227 : i32 to index
      %get3A_301 = arith.constant 96 : index
      %get3A_302 = tpu.vector_load %arg9[%get3A_300, %get3A_301] {strides = array<i32>} : memref<128x128xf32, #tpu.memory_space<vmem>>, vector<16xf32>,
      %sub3A_303 = arith.subf %get3A_299, %get3A_302 : vector<16xf32>
      %mul3A_304 = arith.mulf %sub3A_303, %sub3A_303 : vector<16xf32>
      %add3A_305 = arith.addf %add3A_294, %mul3A_304 : vector<16xf32>
      %add3A_306 = arith.constant 384 : i32
      %add3A_307 = arith.addi %add3A_306, %scan3A_227 : i32
      %get3A_308 = arith.index_cast %add3A_307 : i32 to index
      %get3A_309 = arith.constant 112 : index
      %get3A_310 = tpu.vector_load %arg7[%get3A_308, %get3A_309] {strides = array<i32>} : memref<512x128xf32, #tpu.memory_space<vmem>>, vector<16xf32>,
      %get3A_311 = arith.index_cast %scan3A_227 : i32 to index
      %get3A_312 = arith.constant 112 : index
      %get3A_313 = tpu.vector_load %arg9[%get3A_311, %get3A_312] {strides = array<i32>} : memref<128x128xf32, #tpu.memory_space<vmem>>, vector<16xf32>,
      %sub3A_314 = arith.subf %get3A_310, %get3A_313 : vector<16xf32>
      %mul3A_315 = arith.mulf %sub3A_314, %sub3A_314 : vector<16xf32>
      %add3A_316 = arith.addf %add3A_305, %mul3A_315 : vector<16xf32>
      %reduce_sum3A = arith.constant true
      %reduce_sum3A_317 = vector.broadcast %reduce_sum3A : i1 to vector<16xi1>
      %reduce_sum3A_318 = tpu.scan <sum>, %add3A_316 masked %reduce_sum3A_317 : vector<16xf32>, vector<16xi1> -> vector<16xf32>
      %reduce_sum3A_319 = vector.extract %reduce_sum3A_318[15] : f32 from vector<16xf32>
      %max3A = arith.constant 9.99999996E-13 : f32
      %max3A_320 = arith.maximumf %reduce_sum3A_319, %max3A : f32
      %min3A = arith.constant 9.99999995E+11 : f32
      %min3A_321 = arith.minimumf %max3A_320, %min3A : f32
      %add3A_322 = arith.addf %scan3A_228, %min3A_321 : f32
      scf.yield %add3A_322 : f32
    }
    %scan3A_220 = arith.constant 128 : i32
    %iota3A = tpu.iota {dimensions = array<i32: 0>} : vector<16xi32>
    %eq3A = arith.constant 0 : i32
    %eq3A_221 = vector.broadcast %eq3A : i32 to vector<16xi32>
    %eq3A_222 = arith.cmpi eq, %iota3A, %eq3A_221 : vector<16xi32>
    %mul3A_223 = arith.constant 6.10351563E-5 : f32
    %mul3A_224 = arith.mulf %scan3A_219, %mul3A_223 : f32
    %jit3A = arith.constant 0.000000e+00 : f32
    %broadcast_in_dim3A = vector.broadcast %mul3A_224 : f32 to vector<16xf32>
    %broadcast_in_dim3A_225 = vector.broadcast %jit3A : f32 to vector<16xf32>
    %select_n3A = arith.select %eq3A_222, %broadcast_in_dim3A, %broadcast_in_dim3A_225 : vector<16xi1>, vector<16xf32>
    %swap3A = arith.constant 0 : index
    %swap3A_226 = tpu.vector_load %arg11[%swap3A] {strides = array<i32>} : memref<16xf32, #tpu.memory_space<vmem>>, vector<16xf32>,
    tpu.vector_store %arg11[%swap3A], %select_n3A {strides = array<i32>} : memref<16xf32, #tpu.memory_space<vmem>>, vector<16xf32>,
    "tpu.region"() ({
      %run_scoped3A = tpu.sem_alloc : memref<!tpu.dma_semaphore, #tpu.memory_space<semaphore_mem>>
      %dma_start3A_227 = arith.constant 0 : i32
      %dma_start3A_228 = tpu.memref_slice %arg5[%add3A, %dma_start3A_227] : memref<32x16xf32, #tpu.memory_space<hbm>> -> memref<1x16xf32, #tpu.memory_space<hbm>>
      %dma_start3A_229 = tpu.memref_squeeze %dma_start3A_228 : memref<1x16xf32, #tpu.memory_space<hbm>> -> memref<16xf32, #tpu.memory_space<hbm>>
      %dma_start3A_230 = arith.constant 0 : i32
      %dma_start3A_231 = tpu.memref_slice %arg5[%add3A, %dma_start3A_230] : memref<32x16xf32, #tpu.memory_space<hbm>> -> memref<1x16xf32, #tpu.memory_space<hbm>>
      %dma_start3A_232 = tpu.memref_squeeze %dma_start3A_231 : memref<1x16xf32, #tpu.memory_space<hbm>> -> memref<16xf32, #tpu.memory_space<hbm>>
      tpu.enqueue_dma source(%arg11 : memref<16xf32, #tpu.memory_space<vmem>>) target(%dma_start3A_232 : memref<16xf32, #tpu.memory_space<hbm>>) target_semaphore(%run_scoped3A : memref<!tpu.dma_semaphore, #tpu.memory_space<semaphore_mem>>)
      %dma_wait3A_233 = arith.constant 0 : i32
      %dma_wait3A_234 = tpu.memref_slice %arg5[%add3A, %dma_wait3A_233] : memref<32x16xf32, #tpu.memory_space<hbm>> -> memref<1x16xf32, #tpu.memory_space<hbm>>
      %dma_wait3A_235 = tpu.memref_squeeze %dma_wait3A_234 : memref<1x16xf32, #tpu.memory_space<hbm>> -> memref<16xf32, #tpu.memory_space<hbm>>
      %dma_wait3A_236 = arith.constant 0 : i32
      %dma_wait3A_237 = tpu.memref_slice %arg5[%add3A, %dma_wait3A_236] : memref<32x16xf32, #tpu.memory_space<hbm>> -> memref<1x16xf32, #tpu.memory_space<hbm>>
      %dma_wait3A_238 = tpu.memref_squeeze %dma_wait3A_237 : memref<1x16xf32, #tpu.memory_space<hbm>> -> memref<16xf32, #tpu.memory_space<hbm>>
      tpu.wait_dma2 semaphore(%run_scoped3A : memref<!tpu.dma_semaphore, #tpu.memory_space<semaphore_mem>>) src(%arg11 : memref<16xf32, #tpu.memory_space<vmem>>) dst(%dma_wait3A_238 : memref<16xf32, #tpu.memory_space<hbm>>)
      tpu.yield
    }) : () -> ()
    return
  }
}

</mosaic_0001>

<sc_bundles>
// kernel: kernel.3.cloned.1.call-start
scs
__scs_entry_jumppad:
0x0: {  	(pc) =	sbr.rel $0x88, $3  }
0x1: {  	(tag) =	ssettag $0x0;
	lr =	simm.s32 $0x1  }
0x2: {  	[smem:$0x3F9E] =	sst lr;
	_ =	strace $0xD0000000  }
0x3: {  	_ = 	snop  }
0x4: {  	_ = 	snop  }
0x5: {  	_ = 	snop  }
0x6: {  	_ = 	snop  }
0x7: {  	_ = 	snop  }
__scs_overlays_trampoline_lowered:
0x8: {  	[smem:$0x3FAD] =	sst s0  }
0x9: {  	[smem:$0x3FAE] =	sst s1  }
0xa: {  	[smem:$0x3FAF] =	sst s2  }
0xb: {  	[smem:$0x3FB0] =	sst s3  }
0xc: {  	[smem:$0x3FB1] =	sst s4  }
0xd: {  	[smem:$0x3FB2] =	sst s5  }
0xe: {  	[smem:$0x3FB3] =	sst s6  }
0xf: {  	[smem:$0x3FB4] =	sst s7  }
0x10: {  	[smem:$0x3FB5] =	sst s8  }
0x11: {  	[smem:$0x3FB6] =	sst s9;
	s0 =	simm.s32 @!p0 $0x0  }
0x12: {  	s1 =	sld [smem:$0x3F9C];
	s0 =	simm.s32 @p0 $0x1  }
0x13: {  	[smem:$0x3FB7] =	sst s0;
	s0 =	simm.s32 @!p1 $0x0  }
0x14: {  	s2 =	sld [smem:$0x3F9B];
	s0 =	simm.s32 @p1 $0x1  }
0x15: {  	[smem:$0x3FB8] =	sst s0;
	s0 =	simm.s32 @!p2 $0x0  }
0x16: {  	s3 =	sld [smem:$0x3FDB];
	s0 =	simm.s32 @p2 $0x1  }
0x17: {  	s4 =	simm.s32 $0x1BF5;
	[smem:$0x3FBA] =	sst s0  }
0x18: {  	s0 =	sld [smem:$0x3F9D];
	_ =	swait.ge [sflag:s4], $0x0  }
0x19: {  	s7 =	sld [smem:$0x3F9E]  }
0x1a: {  	s8 =	sadd.s32 $0xFFFFE003, lr  }
0x1b: {  	s9 =	sadd.s32 $0xFFFFFEF7, lr;
	s5 =	simm.s32 $0xFFFFFFFF;
	p2 =	slt.u32 s8, $0xFFFFF086  }
0x1c: {  	p1 =	slt.u32 s9, $0xF7A;
	s5 =	simm.s32 @!p2 $0x0  }
0x1d: {  	s5 =	simm.s32 @p1 $0x1;
	p0 =	seq.s32 s7, s2  }
0x1e: {  	s7 =	smul.u32 @!p0 $0xF7A, s2;
	p2 =	seq.s32 @!p0 s5, $0x0  }
0x1f: {  	s9 =	smul.u32 $0xF7A, s1;
	s8 =	simm.s32 @!p0 $0x1BF5;
	p2 =	por !p2, p0  }
0x20: {  	[sflag:s8] =	ssyncset.s32 @!p0 $0xFFFFF086;
	s6 =	sadd.s32 @!p0 s3, s7;
	s7 =	simm.s32 @!p0 $0x108  }
0x21: {  	s3 =	sadd.s32 s3, s9;
	s6 =	sadd.s32 @!p0 $0x88, s6;
	s7 =	simm.s32 @p2 $0x1082  }
0x22: {  	[simem:s7], [sflag:s8] =	dma.local @!p0 [hbm:s6], $0xF7A  }
0x23: {  	s9 =	sor.u32 $0xD0000000, s2;
	s6 =	simm.s32 $0x108;
	_ =	swait.ge @!p0 [sflag:s8], $0x0  }
0x24: {  	s3 =	sadd.s32 $0x88, s3;
	s6 =	simm.s32 @!p1 $0x1082;
	[sflag:s4] =	ssyncset.s32 $0xFFFFF086  }
0x25: {  	[simem:s6], [sflag:s4] =	dma.local [hbm:s3], $0xF7A  }
0x26: {  	[smem:$0x3F9E] =	sst s1;
	(tag) =	ssettag s2;
	_ =	strace s9  }
0x27: {  	s1 =	sld [smem:$0x3FAE]  }
0x28: {  	s2 =	sld [smem:$0x3FAF]  }
0x29: {  	s4 =	sld [smem:$0x3FB1]  }
0x2a: {  	p0 =	seq.s32 s5, $0x0;
	s5 =	sld [smem:$0x3FB2]  }
0x2b: {  	s6 =	sld [smem:$0x3FB3]  }
0x2c: {  	s7 =	sld [smem:$0x3FB4]  }
0x2d: {  	s3 =	simm.s32 $0x108;
	s8 =	sld [smem:$0x3FB5]  }
0x2e: {  	s3 =	simm.s32 @!p0 $0x1082;
	s9 =	sld [smem:$0x3FB6]  }
0x2f: {  	lr =	sadd.s32 s0, s3;
	s0 =	sld [smem:$0x3FAD]  }
0x30: {  	s3 =	sld [smem:$0x3FB0]  }
0x31: {  	[smem:$0x3FB9] =	sst s10  }
0x32: {  	s10 =	sld [smem:$0x3FB7];
	_ =	sdelay $0x3  }
0x33: {  	p0 =	seq.s32 s10, $0x1;
	s10 =	sld [smem:$0x3FB9];
	_ =	sdelay $0x3  }
0x34: {  	[smem:$0x3FB9] =	sst s10  }
0x35: {  	s10 =	sld [smem:$0x3FB8];
	_ =	sdelay $0x3  }
0x36: {  	p1 =	seq.s32 s10, $0x1;
	s10 =	sld [smem:$0x3FB9];
	_ =	sdelay $0x3  }
0x37: {  	[smem:$0x3FB9] =	sst s10  }
0x38: {  	s10 =	sld [smem:$0x3FBA]  }
0x39: {  	_ = 	snop;
	(pc) =	sbr.ind lr, $3  }
0x3a: {  	_ = 	snop  }
0x3b: {  	_ = 	snop  }
0x3c: {  	p2 =	seq.s32 s10, $0x1;
	s10 =	sld [smem:$0x3FB9]  }
0x3d: {  	_ =	shalt  }
0x3e: {  	_ =	shalt  }
0x3f: {  	_ =	shalt  }
0x40: {  	_ =	shalt  }
0x41: {  	_ =	shalt  }
0x42: {  	_ =	shalt  }
0x43: {  	_ =	shalt  }
0x44: {  	_ =	shalt  }
0x45: {  	_ =	shalt  }
0x46: {  	_ =	shalt  }
0x47: {  	_ =	shalt  }
0x48: {  	_ =	shalt  }
0x49: {  	_ =	shalt  }
0x4a: {  	_ =	shalt  }
0x4b: {  	_ =	shalt  }
0x4c: {  	_ =	shalt  }
0x4d: {  	_ =	shalt  }
0x4e: {  	_ =	shalt  }
0x4f: {  	_ =	shalt  }
0x50: {  	_ =	shalt  }
0x51: {  	_ =	shalt  }
0x52: {  	_ =	shalt  }
0x53: {  	_ =	shalt  }
0x54: {  	_ =	shalt  }
0x55: {  	_ =	shalt  }
0x56: {  	_ =	shalt  }
0x57: {  	_ =	shalt  }
0x58: {  	_ =	shalt  }
0x59: {  	_ =	shalt  }
0x5a: {  	_ =	shalt  }
0x5b: {  	_ =	shalt  }
0x5c: {  	_ =	shalt  }
0x5d: {  	_ =	shalt  }
0x5e: {  	_ =	shalt  }
0x5f: {  	_ =	shalt  }
0x60: {  	_ =	shalt  }
0x61: {  	_ =	shalt  }
0x62: {  	_ =	shalt  }
0x63: {  	_ =	shalt  }
0x64: {  	_ =	shalt  }
0x65: {  	_ =	shalt  }
0x66: {  	_ =	shalt  }
0x67: {  	_ =	shalt  }
0x68: {  	_ =	shalt  }
0x69: {  	_ =	shalt  }
0x6a: {  	_ =	shalt  }
0x6b: {  	_ =	shalt  }
0x6c: {  	_ =	shalt  }
0x6d: {  	_ =	shalt  }
0x6e: {  	_ =	shalt  }
0x6f: {  	_ =	shalt  }
0x70: {  	_ =	shalt  }
0x71: {  	_ =	shalt  }
0x72: {  	_ =	shalt  }
0x73: {  	_ =	shalt  }
0x74: {  	_ =	shalt  }
0x75: {  	_ =	shalt  }
0x76: {  	_ =	shalt  }
0x77: {  	_ =	shalt  }
0x78: {  	_ =	shalt  }
0x79: {  	_ =	shalt  }
0x7a: {  	_ =	shalt  }
0x7b: {  	_ =	shalt  }
0x7c: {  	_ =	shalt  }
0x7d: {  	_ =	shalt  }
0x7e: {  	_ =	shalt  }
0x7f: {  	_ =	shalt  }
0x80: {  	_ =	shalt  }
0x81: {  	_ =	shalt  }
0x82: {  	_ =	shalt  }
0x83: {  	_ =	shalt  }
0x84: {  	_ =	shalt  }
0x85: {  	_ =	shalt  }
0x86: {  	_ =	shalt  }
0x87: {  	_ =	shalt  }
.Lfunc_end0:
.L_simem_size_0:
called_computation_lowered:
.L_overlay_start_0:
0x88: {  	s2 =	sld [smem:$0x3FD9]  }
0x89: {  	s3 =	sld [smem:$0x3FFE];
	_ =	sdelay $0x1  }
0x8a: {  	s1 =	srdreg.scid  }
0x8b: {  	s0 =	sand.u32 $0x1, s1  }
0x8c: {  	s17 =	sshll.u32 s0, $0xA;
	s2 =	sadd.s32 s3, s2  }
0x8d: {  	s2 =	sadd.s32 s2, s17  }
0x8e: {  	[smem:$0x3FC5] =	sst s2  }
0x8f: {  	_ = 	snop  }
0x90: {  	s2 =	sld [smem:$0x3FC9]  }
0x91: {  	s18 =	sld [smem:$0x3FC8]  }
0x92: {  	s4 =	sld [smem:$0x3FC7];
	(tm) =	ssettm $0x1  }
0x93: {  	s5 =	sld [smem:$0x3FFB];
	_ =	sdelay $0x3  }
0x94: {  	_ =	strace s5  }
0x95: {  	s5 =	sld [smem:$0x3FFC];
	_ =	sdelay $0x3  }
0x96: {  	_ =	strace s5  }
0x97: {  	s5 =	sld [smem:$0x3FFD];
	_ =	sdelay $0x3  }
0x98: {  	_ =	strace s5  }
0x99: {  	_ =	strace $0x8FFFFFFF  }
0x9a: {  	s19 =	sld [smem:$0x3FDB];
	_ =	sdelay $0x1  }
0x9b: {  	s6 =	simm.s32 $_scs_section_size  }
0x9c: {  	s7 =	simm.s32 $_size__tile_overlayer_lowered;
	s8 =	simm.s32 $_tile_overlayer_lowered  }
0x9d: {  	s22 =	simm.s32 $0x1BFF;
	s21 =	sshll.u32 s8, $0x1;
	s5 =	sadd.s32 s6, s19  }
0x9e: {  	s9 =	simm.s32 $0x0;
	s20 =	sshll.u32 s7, $0x1;
	s7 =	sadd.s32 s21, s5  }
0x9f: {  	[timem:s9], [sflag:s22] =	dma.local [hbm:s7], s20  }
0xa0: {  	_ =	swait.ge [sflag:s22], s20  }
0xa1: {  	s6 =	ssub.s32 $0x0, s20;
	[sflag:s22] =	ssyncset.done $0x0  }
0xa2: {  	[sflag:s22] =	ssyncadd.s32 s6;
	_ =	sdelay $0x1  }
0xa3: {  	s23 =	simm.s32 $0x1B8B  }
0xa4: {  	_ =	swait.ge [sflag:s23], $0x1  }
0xa5: {  	[sflag:s23] =	ssyncset.done $0x0  }
0xa6: {  	s25 =	simm.s32 $0x1B8E;
	s24 =	sld [smem:$0x3FFE];
	[sflag:s23] =	ssyncadd.s32 $0xFFFFFFFF  }
0xa7: {  	s26 =	simm.s32 $execute0_lowered;
	[smem:$0x3FD2] =	sst s25  }
0xa8: {  	s7 =	sshll.u32 s26, $0x1;
	_ =	strace $0x80000046;
	[dreg:$0x1] =	wrdreg $0xFFFFFFFF  }
0xa9: {  	s28 =	simm.s32 $_size_execute0_lowered;
	s5 =	sadd.s32 s5, s7;
	[dreg:$0x0] =	wrdreg $0x0  }
0xaa: {  	s7 =	sshll.u32 s28, $0x1;
	[dreg:$0x2] =	wrdreg s5  }
0xab: {  	[dreg:$0x3] =	wrdreg s7  }
0xac: {  	[dreg:$0x4] =	wrdreg $0xC0  }
0xad: {  	_ =	task [dreg:s9], $0x5FFFF  }
0xae: {  	[dreg:$0x1] =	wrdreg $0xFFFFFFFF  }
0xaf: {  	[dreg:$0x0] =	wrdreg $0x60  }
0xb0: {  	[dreg:$0x2] =	wrdreg s2  }
0xb1: {  	[dreg:$0x3] =	wrdreg s18  }
0xb2: {  	[dreg:$0x4] =	wrdreg s4  }
0xb3: {  	[dreg:$0x5] =	wrdreg s24  }
0xb4: {  	[dreg:$0x6] =	wrdreg $0x9  }
0xb5: {  	_ =	task.clear_ibuf [dreg:s9], $0x7FFFF;
	_ =	strace $0x90000046  }
0xb6: {  	s29 =	simm.s32 $0x9;
	_ =	strace $0x80000048  }
0xb7: {  	_ =	swait.ge [sflag:s29], $0x1  }
0xb8: {  	[sflag:s29] =	ssyncadd.s32 $0xFFFFFFFF  }
0xb9: {  	_ =	strace $0x90000048  }
0xba: {  	_ =	sfence  }
0xbb: {  	s30 =	sld [smem:$0x0];
	_ =	sdelay $0x2  }
0xbc: {  	s31 =	sshll.u32 s1, $0xD;
	s1 =	sshrl.u32 s1, $0x2  }
0xbd: {  	s3 =	sand.u32 $0x4000, s31;
	s1 =	sadd.s32 s1, s30  }
0xbe: {  	s0 =	sor.u32 s3, s0;
	s1 =	sshll.u32 s1, $0x11  }
0xbf: {  	s0 =	sor.u32 s1, s0  }
0xc0: {  	s0 =	sadd.s32 $0x8F2B, s0  }
0xc1: {  	[sflag:s0] =	ssyncadd.remote.s32 $0x1  }
0xc2: {  	_ =	sfence.sel $0xFFFF  }
0xc3: {  	[dreg:$0x0] =	wrdreg $0xFFFFFFFF;
	(pc) =	sbr.abs _section_cstart, $3  }
0xc4: {  	[dreg:$0x1] =	wrdreg $0xFFFFFFFF  }
0xc5: {  	_ =	task.clear_ibuf [dreg:s9], $0x2FFFF;
	_ =	strace $0x9FFFFFFF  }
0xc6: {  	(tm) =	ssettm $0x7FFFFFFF  }
0xc7: {  	_ =	shalt  }
tec
execute0_lowered:
.L_overlay_start_1:
0x0: {  	(tag) =	ssettag $0x1  }
0x1: {  	s0 =	rddreg [dreg:$0x0]  }
0x2: {  	s1 =	rddreg [dreg:$0x1]  }
0x3: {  	s2 =	rddreg [dreg:$0x2]  }
0x4: {  	s10 =	rddreg [dreg:$0x3];
	s4 =	srdreg.scid  }
0x5: {  	s5 =	stileid.u32;
	s3 =	simm.s32 $0x0;
	s13 =	simm.s32 $0x20  }
0x6: {  	s14 =	simm.s32 $0x10200;
	s17 =	simm.s32 $0x14200;
	s19 =	simm.s32 $0x80  }
0x7: {  	s21 =	simm.s32 $0x4200;
	s22 =	simm.s32 $0x1;
	s23 =	simm.s32 $0x100  }
0x8: {  	s28 =	simm.s32 $0xC200;
	s29 =	simm.s32 $0x3;
	s30 =	simm.s32 $0x1C200  }
0x9: {  	s31 =	simm.s32 $0x0;
	s4 =	sand.u32 $0x1, s4;
	s5 =	sshll.u32 s5, $0x1  }
0xa: {  	[smem:$0x7FF] =	sst s3;
	s6 =	ssub.s32 $0x2, s4;
	s11 =	sor.u32 s4, s5  }
0xb: {  	_ =	strace $0x80000047;
	s24 =	sshrl.u32 s6, $0x1;
	s5 =	sshll.u32 s11, $0xD  }
0xc: {  	s25 =	sshll.u32 s11, $0x6;
	s26 =	sshll.u32 s11, $0x4;
	s12 =	ssub.s32 s6, s24  }
0xd: {  	s4 =	sadd.s32 s0, s5;
	s5 =	sadd.s32 s1, s25;
	s10 =	sadd.s32 s10, s26  }
0xe: {  	s24 =	simm.s32 $0x8200;
	s25 =	simm.s32 $0x2;
	s26 =	simm.s32 $0x180  }
0xf: {  	s6 =	sadd.s32 $0x200, s4;
	s7 =	sadd.s32 $0x800, s4;
	s8 =	sadd.s32 $0x1000, s4  }
0x10: {  	vm0 =	vcmask $0x300;
	s9 =	sadd.s32 $0x1800, s4;
	s11 =	smax.u32 s12, $0x1;
	s12 =	simm.s32 $0x4  }
.LBB2_1:
0x11: {  	[tilespmem:s3], [sflag:$0x4] =	stream.linear.gather [hbm4b:s5+s3], $0x200, $0x38;
	[tilespmem:$0x1C280] =	vst v63  }
0x12: {  	_ =	swait.ge [sflag:s12], $0x200  }
0x13: {  	[sflag:s12] =	ssyncset.done $0x0  }
0x14: {  	[sflag:s12] =	ssyncadd.s32 $0xFFFFFE00  }
0x15: {  	[tilespmem:s14], [sflag:$0x1] =	stream.indirect.gather [hbm4b:s2+s13], $0x80, s3, s13, $0xb8;
	[tilespmem:$0x1C280] =	vst v63  }
0x16: {  	s0 =	simm.s32 $0x200  }
0x17: {  	[tilespmem:s0], [sflag:$0x1] =	stream.linear.gather [hbm4b:s4+s3], $0x1000, $0x38;
	[tilespmem:$0x1C280] =	vst v63  }
0x18: {  	s1 =	simm.s32 $0x60  }
0x19: {  	[tilespmem:s17], [sflag:$0x2] =	stream.indirect.gather [hbm4b:s2+s1], $0x80, s13, s1, $0xb8;
	[tilespmem:$0x1C280] =	vst v63  }
0x1a: {  	s15 =	simm.s32 $0x1200  }
0x1b: {  	[tilespmem:s15], [sflag:$0x2] =	stream.linear.gather [hbm4b:s6+s3], $0x3000, $0x38;
	[tilespmem:$0x1C280] =	vst v63  }
0x1c: {  	s16 =	simm.s32 $0x18200  }
0x1d: {  	[tilespmem:s16], [sflag:$0x3] =	stream.indirect.gather [hbm4b:s2+s19], $0x80, s19, s19, $0xb8;
	[tilespmem:$0x1C280] =	vst v63  }
0x1e: {  	_ = 	snop  }
0x1f: {  	[tilespmem:s21], [sflag:$0x3] =	stream.linear.gather [hbm4b:s7+s3], $0x4000, $0x38;
	[tilespmem:$0x1C280] =	vst v63  }
0x20: {  	_ =	swait.ge [sflag:s22], $0x1000  }
0x21: {  	[sflag:s22] =	ssyncset.done $0x0  }
0x22: {  	[sflag:s22] =	ssyncadd.s32 $0xFFFFF000  }
0x23: {  	_ =	swait.ge [sflag:s22], $0x1000  }
0x24: {  	[sflag:s22] =	ssyncset.done $0x0  }
0x25: {  	s18 =	simm.s32 $0x0;
	[sflag:s22] =	ssyncadd.s32 $0xFFFFF000  }
0x26: {  	v0 =	vld [tilespmem:s18+$0x200]  }
0x27: {  	v1 =	vld [tilespmem:s18+$0x10200]  }
0x28: {  	v2 =	vld [tilespmem:s18+$0x210]  }
0x29: {  	v3 =	vld [tilespmem:s18+$0x10210]  }
0x2a: {  	v4 =	vld [tilespmem:s18+$0x220]  }
0x2b: {  	v5 =	vld [tilespmem:s18+$0x10220]  }
0x2c: {  	v6 =	vld [tilespmem:s18+$0x230]  }
0x2d: {  	v7 =	vld [tilespmem:s18+$0x10230]  }
0x2e: {  	v8 =	vld [tilespmem:s18+$0x240]  }
0x2f: {  	v9 =	vld [tilespmem:s18+$0x10240]  }
0x30: {  	v10 =	vld [tilespmem:s18+$0x250]  }
0x31: {  	v11 =	vld [tilespmem:s18+$0x10250]  }
0x32: {  	v12 =	vld [tilespmem:s18+$0x260]  }
0x33: {  	v13 =	vld [tilespmem:s18+$0x10260]  }
0x34: {  	v14 =	vld [tilespmem:s18+$0x270]  }
0x35: {  	s1 =	simm.s32 $0x80;
	v15 =	vld [tilespmem:s18+$0x10270]  }
0x36: {  	v16 =	vld [tilespmem:s1+$0x200]  }
0x37: {  	v17 =	vld [tilespmem:s1+$0x10200];
	v0 =	vsub.f32 v0, v1;
	v1 =	vsub.f32 v2, v3  }
0x38: {  	v18 =	vld [tilespmem:s1+$0x210]  }
0x39: {  	v19 =	vld [tilespmem:s1+$0x10210];
	v4 =	vsub.f32 v4, v5;
	v0 =	vmul.f32 v0, v0;
	v1 =	vmul.f32 v1, v1  }
0x3a: {  	v20 =	vld [tilespmem:s1+$0x10230]  }
0x3b: {  	v50 =	vld [tilespmem:s1+$0x10250];
	v0 =	vadd.f32 v1, v0;
	v1 =	vmul.f32 v4, v4;
	v4 =	vsub.f32 v6, v7  }
0x3c: {  	v2 =	vld [tilespmem:s1+$0x220]  }
0x3d: {  	s20 =	simm.s32 $0x100;
	v3 =	vld [tilespmem:s1+$0x10220];
	v0 =	vadd.f32 v1, v0;
	v1 =	vmul.f32 v4, v4;
	v4 =	vsub.f32 v8, v9  }
0x3e: {  	v57 =	vld [tilespmem:s20+$0x200]  }
0x3f: {  	v5 =	vld [tilespmem:s1+$0x230];
	v0 =	vadd.f32 v1, v0;
	v1 =	vmul.f32 v4, v4;
	v4 =	vsub.f32 v10, v11  }
0x40: {  	v54 =	vsub.f32 v16, v17;
	v55 =	vsub.f32 v18, v19;
	v6 =	vld [tilespmem:s1+$0x240]  }
0x41: {  	v7 =	vld [tilespmem:s1+$0x10240];
	v0 =	vadd.f32 v1, v0;
	v1 =	vmul.f32 v4, v4;
	v4 =	vsub.f32 v12, v13  }
0x42: {  	v59 =	vld [tilespmem:s20+$0x10210];
	v58 =	vmul.f32 v55, v55;
	v2 =	vsub.f32 v2, v3;
	v13 =	vmul.f32 v54, v54  }
0x43: {  	v3 =	vld [tilespmem:s20+$0x10200];
	v0 =	vadd.f32 v1, v0;
	v1 =	vmul.f32 v4, v4;
	v4 =	vsub.f32 v14, v15  }
0x44: {  	v5 =	vsub.f32 v5, v20;
	v8 =	vld [tilespmem:s1+$0x250];
	v2 =	vmul.f32 v2, v2  }
0x45: {  	v13 =	vadd.f32 v58, v13;
	v0 =	vadd.f32 v1, v0;
	v1 =	vmul.f32 v4, v4;
	v4 =	vld [tilespmem:s20+$0x210]  }
0x46: {  	v6 =	vsub.f32 v6, v7;
	v7 =	vld [tilespmem:s20+$0x10220]  }
0x47: {  	v5 =	vmul.f32 v5, v5;
	v2 =	vadd.f32 v2, v13;
	v0 =	vadd.f32 v1, v0;
	v1 =	vld [tilespmem:s20+$0x220]  }
0x48: {  	v51 =	vld [tilespmem:s1+$0x260]  }
0x49: {  	v52 =	vld [tilespmem:s1+$0x10260];
	v3 =	vsub.f32 v57, v3;
	v2 =	vadd.f32 v5, v2  }
0x4a: {  	v5 =	vmul.f32 v6, v6;
	v6 =	vsub.f32 v8, v50;
	v8 =	vld [tilespmem:s20+$0x10230];
	(xrf2) =	vadd.scan.msk.f32 $0xffff, v0;
	v4 =	vsub.f32 v4, v59  }
0x4b: {  	v0 =	vld [tilespmem:s20+$0x230]  }
0x4c: {  	v3 =	vmul.f32 v3, v3;
	v4 =	vmul.f32 v4, v4;
	v1 =	vsub.f32 v1, v7  }
0x4d: {  	v2 =	vadd.f32 v5, v2;
	v5 =	vmul.f32 v6, v6  }
0x4e: {  	v53 =	vld [tilespmem:s1+$0x270];
	v6 =	vsub.f32 v51, v52;
	v3 =	vadd.f32 v4, v3;
	v1 =	vmul.f32 v1, v1  }
0x4f: {  	v56 =	vld [tilespmem:s1+$0x10270];
	v2 =	vadd.f32 v5, v2  }
0x50: {  	v5 =	vmul.f32 v6, v6;
	v0 =	vsub.f32 v0, v8;
	v3 =	vadd.f32 v1, v3;
	_ =	sdelay $0x1  }
0x51: {  	v2 =	vadd.f32 v5, v2;
	v5 =	vmul.f32 v0, v0;
	_ =	sdelay $0x1  }
0x52: {  	v6 =	vsub.f32 v53, v56;
	v5 =	vadd.f32 v5, v3;
	v3, _, _ =	vpop (xrf2)  }
0x53: {  	(v2sf) =	vpush v3, $0xF  }
0x54: {  	v4 =	vmul.f32 v6, v6;
	_ =	sdelay $0x1  }
0x55: {  	v60 =	vld [tilespmem:s20+$0x240];
	v4 =	vadd.f32 v4, v2  }
0x56: {  	v61 =	vld [tilespmem:s20+$0x10240]  }
0x57: {  	v62 =	vld [tilespmem:s20+$0x10250];
	(xrf2) =	vadd.scan.msk.f32 $0xffff, v4  }
0x58: {  	v7 =	vld [tilespmem:s20+$0x250]  }
0x59: {  	v63 =	vld [tilespmem:s20+$0x10260]  }
0x5a: {  	v8 =	vld [tilespmem:s20+$0x260]  }
0x5b: {  	v6 =	vsub.f32 v60, v61;
	v0 =	vld [tilespmem:s20+$0x270]  }
0x5c: {  	s1 =	simm.s32 $0x180;
	v1 =	vld [tilespmem:s20+$0x10270]  }
0x5d: {  	v2 =	vld [tilespmem:s1+$0x200];
	v6 =	vmul.f32 v6, v6;
	v7 =	vsub.f32 v7, v62  }
0x5e: {  	v4 =	vld [tilespmem:s1+$0x210]  }
0x5f: {  	s0 =	simm.f32 $0.0e+00;
	s15 =	simm.s32 $0x800;
	v5 =	vadd.f32 v6, v5;
	v6 =	vmul.f32 v7, v7;
	v7 =	vsub.f32 v8, v63;
	v3 =	vld [tilespmem:s1+$0x10200]  }
.LBB2_2:
0x60: {  	p0 =	sne.s32 s15, $0x3E00;
	v8 =	vld [tilespmem:s1+$0x10210]  }
0x61: {  	v9 =	vld [tilespmem:s1+$0x220];
	v5 =	vadd.f32 v6, v5;
	v6 =	vmul.f32 v7, v7;
	v0 =	vsub.f32 v0, v1;
	v1, _, _ =	vpop (xrf2);
	s16 =	spop (v2sf)  }
0x62: {  	v7 =	vld [tilespmem:s1+$0x10220];
	(v2sf) =	vpush v1, $0xF;
	s16 =	smax.f32 s16, $9.999999960e-13  }
0x63: {  	v1 =	vld [tilespmem:s1+$0x230];
	v5 =	vadd.f32 v6, v5;
	v0 =	vmul.f32 v0, v0;
	s16 =	smin.f32 s16, $9.999999950e+11  }
0x64: {  	v2 =	vsub.f32 v2, v3;
	v3 =	vld [tilespmem:s1+$0x10230];
	s0 =	sadd.f32 s16, s0  }
0x65: {  	v4 =	vsub.f32 v4, v8;
	v6 =	vld [tilespmem:s1+$0x240];
	v0 =	vadd.f32 v0, v5  }
0x66: {  	v5 =	vld [tilespmem:s1+$0x10240]  }
0x67: {  	v2 =	vmul.f32 v2, v2;
	v4 =	vmul.f32 v4, v4;
	v7 =	vsub.f32 v9, v7;
	v8 =	vld [tilespmem:s1+$0x250];
	(xrf2) =	vadd.scan.msk.f32 $0xffff, v0  }
0x68: {  	v9 =	vld [tilespmem:s1+$0x10250]  }
0x69: {  	v0 =	vadd.f32 v4, v2;
	v2 =	vmul.f32 v7, v7;
	v1 =	vsub.f32 v1, v3;
	v7 =	vld [tilespmem:s1+$0x260]  }
0x6a: {  	v10 =	vld [tilespmem:s1+$0x10260]  }
.Ltmp0:
0x6b: {  	v3 =	vadd.f32 v2, v0;
	v4 =	vmul.f32 v1, v1;
	v5 =	vsub.f32 v6, v5;
	v0 =	vld [tilespmem:s1+$0x270];
	(pc) =	sbr.rel @p0 .LBB2_2-.Ltmp0, $4  }
0x6c: {  	v1 =	vld [tilespmem:s1+$0x10270];
	s1 =	sshra.s32 s15, $0x2  }
0x6d: {  	v2 =	vld [tilespmem:s1+$0x200];
	v6 =	vadd.f32 v4, v3;
	v5 =	vmul.f32 v5, v5;
	v8 =	vsub.f32 v8, v9  }
0x6e: {  	v3 =	vld [tilespmem:s1+$0x10200]  }
0x6f: {  	s15 =	sadd.s32 $0x200, s15;
	v4 =	vld [tilespmem:s1+$0x210];
	v5 =	vadd.f32 v5, v6;
	v6 =	vmul.f32 v8, v8;
	v7 =	vsub.f32 v7, v10  }
0x70: {  	v8 =	vld [tilespmem:s1+$0x10210]  }
0x71: {  	v9 =	vld [tilespmem:s1+$0x220]  }
0x72: {  	v10 =	vld [tilespmem:s1+$0x10220]  }
0x73: {  	v11 =	vld [tilespmem:s1+$0x230]  }
0x74: {  	v12 =	vld [tilespmem:s1+$0x10230]  }
0x75: {  	v2 =	vsub.f32 v2, v3;
	v3 =	vsub.f32 v4, v8;
	v4 =	vld [tilespmem:s1+$0x240]  }
0x76: {  	v8 =	vld [tilespmem:s1+$0x10240]  }
0x77: {  	v40 =	vld [tilespmem:s1+$0x250];
	v2 =	vmul.f32 v2, v2;
	v9 =	vsub.f32 v9, v10;
	v3 =	vmul.f32 v3, v3  }
0x78: {  	v13 =	vld [tilespmem:s1+$0x10250]  }
0x79: {  	v42 =	vld [tilespmem:s1+$0x260];
	v41 =	vsub.f32 v11, v12;
	v2 =	vadd.f32 v3, v2;
	v3 =	vmul.f32 v9, v9  }
0x7a: {  	v43 =	vld [tilespmem:s1+$0x10260]  }
0x7b: {  	v44 =	vld [tilespmem:s1+$0x10270];
	v4 =	vsub.f32 v4, v8;
	v2 =	vadd.f32 v3, v2;
	v3 =	vmul.f32 v41, v41  }
0x7c: {  	v8 =	vld [tilespmem:s1+$0x270]  }
0x7d: {  	v2 =	vadd.f32 v3, v2;
	v3 =	vmul.f32 v4, v4;
	v4 =	vsub.f32 v40, v13  }
0x7e: {  	v5 =	vadd.f32 v6, v5;
	v6 =	vmul.f32 v7, v7;
	v0 =	vsub.f32 v0, v1  }
0x7f: {  	v1 =	vadd.f32 v3, v2;
	v2 =	vmul.f32 v4, v4;
	v3 =	vsub.f32 v42, v43  }
0x80: {  	v0 =	vmul.f32 v0, v0;
	v4 =	vadd.f32 v6, v5  }
0x81: {  	v1 =	vadd.f32 v2, v1;
	v2 =	vmul.f32 v3, v3;
	v3 =	vsub.f32 v8, v44;
	_ =	sdelay $0x1  }
0x82: {  	v0 =	vadd.f32 v0, v4;
	v1 =	vadd.f32 v2, v1;
	v2 =	vmul.f32 v3, v3;
	_ =	sdelay $0x1  }
0x83: {  	(xrf2) =	vadd.scan.msk.f32 $0xffff, v0;
	v0 =	vadd.f32 v2, v1;
	_ =	sdelay $0x1  }
0x84: {  	(xrf2) =	vadd.scan.msk.f32 $0xffff, v0;
	_ =	sdelay $0x7  }
0x85: {  	v0, _, _ =	vpop (xrf2)  }
0x86: {  	(v2sf) =	vpush v0, $0xF;
	v1, _, _ =	vpop (xrf2)  }
0x87: {  	(v2sf) =	vpush v1, $0xF;
	v0, _, _ =	vpop (xrf2)  }
0x88: {  	(v2sf) =	vpush v0, $0xF;
	_ =	sdelay $0x9  }
0x89: {  	[tilespmem:s14], [sflag:$0x1] =	stream.indirect.gather [hbm4b:s2+s19], $0x80, s23, s19, $0xb8;
	[tilespmem:$0x1C280] =	vst v63  }
0x8a: {  	s20 =	simm.s32 $0x0;
	s18 =	spop (v2sf)  }
0x8b: {  	[tilespmem:s24], [sflag:$0x1] =	stream.linear.gather [hbm4b:s8+s20], $0x4000, $0x38;
	[tilespmem:$0x1C280] =	vst v63  }
0x8c: {  	s16 =	spop (v2sf)  }
0x8d: {  	s15 =	spop (v2sf)  }
0x8e: {  	s1 =	spop (v2sf)  }
0x8f: {  	_ =	swait.ge [sflag:s25], $0x3000  }
0x90: {  	[sflag:s25] =	ssyncset.done $0x0  }
0x91: {  	[sflag:s25] =	ssyncadd.s32 $0xFFFFD000  }
0x92: {  	_ =	swait.ge [sflag:s25], $0x3000  }
0x93: {  	[sflag:s25] =	ssyncset.done $0x0  }
0x94: {  	s20 =	simm.s32 $0x0;
	[sflag:s25] =	ssyncadd.s32 $0xFFFFD000  }
0x95: {  	v0 =	vld [tilespmem:s20+$0x1200]  }
0x96: {  	v1 =	vld [tilespmem:s20+$0x14200]  }
0x97: {  	v2 =	vld [tilespmem:s20+$0x1210]  }
0x98: {  	v3 =	vld [tilespmem:s20+$0x14210]  }
0x99: {  	v4 =	vld [tilespmem:s20+$0x1220]  }
0x9a: {  	v5 =	vld [tilespmem:s20+$0x14220]  }
0x9b: {  	v6 =	vld [tilespmem:s20+$0x1230]  }
0x9c: {  	v7 =	vld [tilespmem:s20+$0x14230]  }
0x9d: {  	v8 =	vld [tilespmem:s20+$0x1240]  }
0x9e: {  	v45 =	vld [tilespmem:s20+$0x14240]  }
0x9f: {  	v46 =	vld [tilespmem:s20+$0x1250]  }
0xa0: {  	v47 =	vld [tilespmem:s20+$0x14250]  }
0xa1: {  	v48 =	vld [tilespmem:s20+$0x1260]  }
0xa2: {  	v49 =	vld [tilespmem:s20+$0x14260]  }
0xa3: {  	v14 =	vld [tilespmem:s20+$0x1270]  }
0xa4: {  	v15 =	vld [tilespmem:s20+$0x14270];
	s20 =	simm.s32 $0x80  }
0xa5: {  	v16 =	vld [tilespmem:s20+$0x1200]  }
0xa6: {  	v17 =	vld [tilespmem:s20+$0x14200]  }
0xa7: {  	v18 =	vld [tilespmem:s20+$0x1210]  }
0xa8: {  	v19 =	vld [tilespmem:s20+$0x14210]  }
0xa9: {  	v20 =	vld [tilespmem:s20+$0x14230]  }
0xaa: {  	v50 =	vld [tilespmem:s20+$0x14250];
	v0 =	vsub.f32 v0, v1;
	v1 =	vsub.f32 v2, v3  }
0xab: {  	v51 =	vld [tilespmem:s20+$0x1260]  }
0xac: {  	v52 =	vld [tilespmem:s20+$0x14260];
	v4 =	vsub.f32 v4, v5;
	v0 =	vmul.f32 v0, v0;
	v1 =	vmul.f32 v1, v1  }
0xad: {  	v53 =	vld [tilespmem:s20+$0x1270]  }
0xae: {  	v56 =	vld [tilespmem:s20+$0x14270];
	v0 =	vadd.f32 v1, v0;
	v1 =	vmul.f32 v4, v4;
	v4 =	vsub.f32 v6, v7  }
0xaf: {  	v2 =	vld [tilespmem:s20+$0x1220]  }
0xb0: {  	v3 =	vld [tilespmem:s20+$0x14220];
	v0 =	vadd.f32 v1, v0;
	v1 =	vmul.f32 v4, v4;
	v4 =	vsub.f32 v8, v45  }
0xb1: {  	v5 =	vld [tilespmem:s20+$0x1230]  }
0xb2: {  	v6 =	vld [tilespmem:s20+$0x1240];
	v0 =	vadd.f32 v1, v0;
	v1 =	vmul.f32 v4, v4;
	v4 =	vsub.f32 v46, v47  }
0xb3: {  	v54 =	vsub.f32 v16, v17;
	v55 =	vsub.f32 v18, v19;
	v7 =	vld [tilespmem:s20+$0x14240]  }
0xb4: {  	v8 =	vld [tilespmem:s20+$0x1250];
	s20 =	simm.s32 $0x100;
	v0 =	vadd.f32 v1, v0;
	v1 =	vmul.f32 v4, v4;
	v4 =	vsub.f32 v48, v49  }
0xb5: {  	v13 =	vmul.f32 v54, v54;
	v58 =	vmul.f32 v55, v55;
	v2 =	vsub.f32 v2, v3;
	v57 =	vld [tilespmem:s20+$0x1200]  }
0xb6: {  	v3 =	vld [tilespmem:s20+$0x14200];
	v0 =	vadd.f32 v1, v0;
	v1 =	vmul.f32 v4, v4;
	v4 =	vsub.f32 v14, v15  }
0xb7: {  	v13 =	vadd.f32 v58, v13;
	v5 =	vsub.f32 v5, v20;
	v59 =	vld [tilespmem:s20+$0x14210]  }
0xb8: {  	v2 =	vmul.f32 v2, v2;
	v0 =	vadd.f32 v1, v0;
	v1 =	vmul.f32 v4, v4;
	v4 =	vld [tilespmem:s20+$0x1210]  }
0xb9: {  	v6 =	vsub.f32 v6, v7;
	v7 =	vld [tilespmem:s20+$0x14220]  }
0xba: {  	v5 =	vmul.f32 v5, v5;
	v2 =	vadd.f32 v2, v13;
	v0 =	vadd.f32 v1, v0;
	v1 =	vld [tilespmem:s20+$0x1220];
	_ =	sdelay $0x1  }
0xbb: {  	v2 =	vadd.f32 v5, v2;
	v5 =	vmul.f32 v6, v6;
	v6 =	vsub.f32 v8, v50  }
0xbc: {  	v8 =	vld [tilespmem:s20+$0x14230];
	v3 =	vsub.f32 v57, v3;
	(xrf2) =	vadd.scan.msk.f32 $0xffff, v0;
	v4 =	vsub.f32 v4, v59  }
0xbd: {  	v0 =	vld [tilespmem:s20+$0x1230]  }
0xbe: {  	v3 =	vmul.f32 v3, v3;
	v4 =	vmul.f32 v4, v4;
	v1 =	vsub.f32 v1, v7  }
0xbf: {  	v2 =	vadd.f32 v5, v2;
	v5 =	vmul.f32 v6, v6  }
0xc0: {  	v6 =	vsub.f32 v51, v52;
	v3 =	vadd.f32 v4, v3;
	v1 =	vmul.f32 v1, v1  }
0xc1: {  	v2 =	vadd.f32 v5, v2  }
0xc2: {  	v5 =	vmul.f32 v6, v6;
	v0 =	vsub.f32 v0, v8;
	v3 =	vadd.f32 v1, v3;
	_ =	sdelay $0x1  }
0xc3: {  	v2 =	vadd.f32 v5, v2;
	v5 =	vmul.f32 v0, v0;
	_ =	sdelay $0x1  }
0xc4: {  	v6 =	vsub.f32 v53, v56;
	v5 =	vadd.f32 v5, v3;
	v3, _, _ =	vpop (xrf2)  }
0xc5: {  	(v2sf) =	vpush v3, $0xF  }
0xc6: {  	v4 =	vmul.f32 v6, v6;
	_ =	sdelay $0x1  }
0xc7: {  	v60 =	vld [tilespmem:s20+$0x1240];
	v4 =	vadd.f32 v4, v2  }
0xc8: {  	v61 =	vld [tilespmem:s20+$0x14240]  }
0xc9: {  	s18 =	smax.f32 s18, $9.999999960e-13;
	v62 =	vld [tilespmem:s20+$0x14250];
	(xrf2) =	vadd.scan.msk.f32 $0xffff, v4  }
0xca: {  	s18 =	smin.f32 s18, $9.999999950e+11;
	v7 =	vld [tilespmem:s20+$0x1250]  }
0xcb: {  	s0 =	sadd.f32 s18, s0;
	s16 =	smax.f32 s16, $9.999999960e-13;
	v63 =	vld [tilespmem:s20+$0x14260]  }
0xcc: {  	s16 =	smin.f32 s16, $9.999999950e+11;
	v8 =	vld [tilespmem:s20+$0x1260]  }
0xcd: {  	s0 =	sadd.f32 s16, s0;
	s15 =	smax.f32 s15, $9.999999960e-13;
	v6 =	vsub.f32 v60, v61;
	v0 =	vld [tilespmem:s20+$0x1270]  }
0xce: {  	s18 =	smin.f32 s15, $9.999999950e+11;
	s15 =	simm.s32 $0x180;
	v1 =	vld [tilespmem:s20+$0x14270]  }
0xcf: {  	s0 =	sadd.f32 s18, s0;
	s1 =	smax.f32 s1, $9.999999960e-13;
	v2 =	vld [tilespmem:s15+$0x1200];
	v6 =	vmul.f32 v6, v6;
	v7 =	vsub.f32 v7, v62  }
0xd0: {  	s1 =	smin.f32 s1, $9.999999950e+11;
	v4 =	vld [tilespmem:s15+$0x1210]  }
0xd1: {  	s0 =	sadd.f32 s1, s0;
	s1 =	simm.s32 $0x800;
	v5 =	vadd.f32 v6, v5;
	v6 =	vmul.f32 v7, v7;
	v7 =	vsub.f32 v8, v63;
	v3 =	vld [tilespmem:s15+$0x14200]  }
.LBB2_4:
0xd2: {  	p0 =	sne.s32 s1, $0xBE00;
	v8 =	vld [tilespmem:s15+$0x14210]  }
0xd3: {  	v9 =	vld [tilespmem:s15+$0x1220];
	v5 =	vadd.f32 v6, v5;
	v6 =	vmul.f32 v7, v7;
	v0 =	vsub.f32 v0, v1;
	v1, _, _ =	vpop (xrf2);
	s16 =	spop (v2sf)  }
0xd4: {  	v7 =	vld [tilespmem:s15+$0x14220];
	(v2sf) =	vpush v1, $0xF;
	s16 =	smax.f32 s16, $9.999999960e-13  }
0xd5: {  	v1 =	vld [tilespmem:s15+$0x1230];
	v5 =	vadd.f32 v6, v5;
	v0 =	vmul.f32 v0, v0;
	s16 =	smin.f32 s16, $9.999999950e+11  }
0xd6: {  	v2 =	vsub.f32 v2, v3;
	v3 =	vld [tilespmem:s15+$0x14230];
	s0 =	sadd.f32 s16, s0  }
0xd7: {  	v4 =	vsub.f32 v4, v8;
	v6 =	vld [tilespmem:s15+$0x1240];
	v0 =	vadd.f32 v0, v5  }
0xd8: {  	v5 =	vld [tilespmem:s15+$0x14240]  }
0xd9: {  	v2 =	vmul.f32 v2, v2;
	v4 =	vmul.f32 v4, v4;
	v7 =	vsub.f32 v9, v7;
	v8 =	vld [tilespmem:s15+$0x1250];
	(xrf2) =	vadd.scan.msk.f32 $0xffff, v0  }
0xda: {  	v9 =	vld [tilespmem:s15+$0x14250]  }
0xdb: {  	v0 =	vadd.f32 v4, v2;
	v2 =	vmul.f32 v7, v7;
	v1 =	vsub.f32 v1, v3;
	v7 =	vld [tilespmem:s15+$0x1260]  }
0xdc: {  	v10 =	vld [tilespmem:s15+$0x14260]  }
.Ltmp1:
0xdd: {  	v3 =	vadd.f32 v2, v0;
	v4 =	vmul.f32 v1, v1;
	v5 =	vsub.f32 v6, v5;
	v0 =	vld [tilespmem:s15+$0x1270];
	(pc) =	sbr.rel @p0 .LBB2_4-.Ltmp1, $4  }
0xde: {  	v1 =	vld [tilespmem:s15+$0x14270];
	s15 =	sshra.s32 s1, $0x2  }
0xdf: {  	v2 =	vld [tilespmem:s15+$0x1200];
	v6 =	vadd.f32 v4, v3;
	v5 =	vmul.f32 v5, v5;
	v8 =	vsub.f32 v8, v9  }
0xe0: {  	v3 =	vld [tilespmem:s15+$0x14200]  }
0xe1: {  	s1 =	sadd.s32 $0x200, s1;
	v4 =	vld [tilespmem:s15+$0x1210];
	v5 =	vadd.f32 v5, v6;
	v6 =	vmul.f32 v8, v8;
	v7 =	vsub.f32 v7, v10  }
0xe2: {  	v8 =	vld [tilespmem:s15+$0x14210]  }
0xe3: {  	v9 =	vld [tilespmem:s15+$0x1220]  }
0xe4: {  	v10 =	vld [tilespmem:s15+$0x14220]  }
0xe5: {  	v11 =	vld [tilespmem:s15+$0x1230]  }
0xe6: {  	v12 =	vld [tilespmem:s15+$0x14230]  }
0xe7: {  	v2 =	vsub.f32 v2, v3;
	v3 =	vsub.f32 v4, v8;
	v4 =	vld [tilespmem:s15+$0x1240]  }
0xe8: {  	v8 =	vld [tilespmem:s15+$0x14240]  }
0xe9: {  	v39 =	vld [tilespmem:s15+$0x1250];
	v2 =	vmul.f32 v2, v2;
	v9 =	vsub.f32 v9, v10;
	v3 =	vmul.f32 v3, v3  }
0xea: {  	v13 =	vld [tilespmem:s15+$0x14250]  }
0xeb: {  	v41 =	vld [tilespmem:s15+$0x1260];
	v40 =	vsub.f32 v11, v12;
	v2 =	vadd.f32 v3, v2;
	v3 =	vmul.f32 v9, v9  }
0xec: {  	v42 =	vld [tilespmem:s15+$0x14260]  }
0xed: {  	v43 =	vld [tilespmem:s15+$0x14270];
	v4 =	vsub.f32 v4, v8;
	v2 =	vadd.f32 v3, v2;
	v3 =	vmul.f32 v40, v40  }
0xee: {  	v8 =	vld [tilespmem:s15+$0x1270]  }
0xef: {  	v2 =	vadd.f32 v3, v2;
	v3 =	vmul.f32 v4, v4;
	v4 =	vsub.f32 v39, v13  }
0xf0: {  	v5 =	vadd.f32 v6, v5;
	v6 =	vmul.f32 v7, v7;
	v0 =	vsub.f32 v0, v1  }
0xf1: {  	v1 =	vadd.f32 v3, v2;
	v2 =	vmul.f32 v4, v4;
	v3 =	vsub.f32 v41, v42  }
0xf2: {  	v0 =	vmul.f32 v0, v0;
	v4 =	vadd.f32 v6, v5  }
0xf3: {  	v1 =	vadd.f32 v2, v1;
	v2 =	vmul.f32 v3, v3;
	v3 =	vsub.f32 v8, v43;
	_ =	sdelay $0x1  }
0xf4: {  	v0 =	vadd.f32 v0, v4;
	v1 =	vadd.f32 v2, v1;
	v2 =	vmul.f32 v3, v3;
	_ =	sdelay $0x1  }
0xf5: {  	(xrf2) =	vadd.scan.msk.f32 $0xffff, v0;
	v0 =	vadd.f32 v2, v1;
	_ =	sdelay $0x1  }
0xf6: {  	(xrf2) =	vadd.scan.msk.f32 $0xffff, v0;
	_ =	sdelay $0x7  }
0xf7: {  	v0, _, _ =	vpop (xrf2)  }
0xf8: {  	(v2sf) =	vpush v0, $0xF;
	v1, _, _ =	vpop (xrf2)  }
0xf9: {  	(v2sf) =	vpush v1, $0xF;
	v0, _, _ =	vpop (xrf2)  }
0xfa: {  	(v2sf) =	vpush v0, $0xF;
	_ =	sdelay $0x9  }
0xfb: {  	[tilespmem:s17], [sflag:$0x2] =	stream.indirect.gather [hbm4b:s2+s19], $0x80, s26, s19, $0xb8;
	[tilespmem:$0x1C280] =	vst v63  }
0xfc: {  	s20 =	simm.s32 $0x0;
	s18 =	spop (v2sf)  }
0xfd: {  	[tilespmem:s28], [sflag:$0x2] =	stream.linear.gather [hbm4b:s9+s20], $0x4000, $0x38;
	[tilespmem:$0x1C280] =	vst v63  }
0xfe: {  	s16 =	spop (v2sf)  }
0xff: {  	s15 =	spop (v2sf)  }
0x100: {  	s1 =	spop (v2sf)  }
0x101: {  	_ =	swait.ge [sflag:s29], $0x4000  }
0x102: {  	[sflag:s29] =	ssyncset.done $0x0  }
0x103: {  	[sflag:s29] =	ssyncadd.s32 $0xFFFFC000  }
0x104: {  	_ =	swait.ge [sflag:s29], $0x4000  }
0x105: {  	[sflag:s29] =	ssyncset.done $0x0  }
0x106: {  	s20 =	simm.s32 $0x0;
	[sflag:s29] =	ssyncadd.s32 $0xFFFFC000  }
0x107: {  	v0 =	vld [tilespmem:s20+$0x4200]  }
0x108: {  	v1 =	vld [tilespmem:s20+$0x18200]  }
0x109: {  	v2 =	vld [tilespmem:s20+$0x4210]  }
0x10a: {  	v3 =	vld [tilespmem:s20+$0x18210]  }
0x10b: {  	v4 =	vld [tilespmem:s20+$0x4220]  }
0x10c: {  	v5 =	vld [tilespmem:s20+$0x18220]  }
0x10d: {  	v6 =	vld [tilespmem:s20+$0x4230]  }
0x10e: {  	v7 =	vld [tilespmem:s20+$0x18230]  }
0x10f: {  	v8 =	vld [tilespmem:s20+$0x4240]  }
0x110: {  	v44 =	vld [tilespmem:s20+$0x18240]  }
0x111: {  	v45 =	vld [tilespmem:s20+$0x4250]  }
0x112: {  	v46 =	vld [tilespmem:s20+$0x18250]  }
0x113: {  	v47 =	vld [tilespmem:s20+$0x4260]  }
0x114: {  	v48 =	vld [tilespmem:s20+$0x18260]  }
0x115: {  	v14 =	vld [tilespmem:s20+$0x4270]  }
0x116: {  	v15 =	vld [tilespmem:s20+$0x18270];
	s20 =	simm.s32 $0x80  }
0x117: {  	v16 =	vld [tilespmem:s20+$0x4200]  }
0x118: {  	v17 =	vld [tilespmem:s20+$0x18200]  }
0x119: {  	v18 =	vld [tilespmem:s20+$0x4210]  }
0x11a: {  	v19 =	vld [tilespmem:s20+$0x18210]  }
0x11b: {  	v20 =	vld [tilespmem:s20+$0x18230];
	v0 =	vsub.f32 v0, v1;
	v1 =	vsub.f32 v2, v3  }
0x11c: {  	v49 =	vld [tilespmem:s20+$0x18250]  }
0x11d: {  	v50 =	vld [tilespmem:s20+$0x4260];
	v4 =	vsub.f32 v4, v5;
	v0 =	vmul.f32 v0, v0;
	v1 =	vmul.f32 v1, v1  }
0x11e: {  	v51 =	vld [tilespmem:s20+$0x18260]  }
0x11f: {  	v52 =	vld [tilespmem:s20+$0x4270];
	v0 =	vadd.f32 v1, v0;
	v1 =	vmul.f32 v4, v4;
	v4 =	vsub.f32 v6, v7  }
0x120: {  	v2 =	vld [tilespmem:s20+$0x4220]  }
0x121: {  	v3 =	vld [tilespmem:s20+$0x18220];
	v0 =	vadd.f32 v1, v0;
	v1 =	vmul.f32 v4, v4;
	v4 =	vsub.f32 v8, v44  }
0x122: {  	v55 =	vld [tilespmem:s20+$0x18270]  }
0x123: {  	v5 =	vld [tilespmem:s20+$0x4230];
	v0 =	vadd.f32 v1, v0;
	v1 =	vmul.f32 v4, v4;
	v4 =	vsub.f32 v45, v46  }
0x124: {  	v53 =	vsub.f32 v16, v17;
	v54 =	vsub.f32 v18, v19;
	v6 =	vld [tilespmem:s20+$0x4240]  }
0x125: {  	v7 =	vld [tilespmem:s20+$0x18240];
	v0 =	vadd.f32 v1, v0;
	v1 =	vmul.f32 v4, v4;
	v4 =	vsub.f32 v47, v48  }
0x126: {  	v13 =	vmul.f32 v53, v53;
	v57 =	vmul.f32 v54, v54;
	v2 =	vsub.f32 v2, v3;
	v8 =	vld [tilespmem:s20+$0x4250];
	s20 =	simm.s32 $0x100  }
0x127: {  	v56 =	vld [tilespmem:s20+$0x4200];
	v0 =	vadd.f32 v1, v0;
	v1 =	vmul.f32 v4, v4;
	v4 =	vsub.f32 v14, v15  }
0x128: {  	v13 =	vadd.f32 v57, v13;
	v5 =	vsub.f32 v5, v20;
	v3 =	vld [tilespmem:s20+$0x18200];
	v2 =	vmul.f32 v2, v2  }
0x129: {  	v58 =	vld [tilespmem:s20+$0x18210];
	v0 =	vadd.f32 v1, v0;
	v1 =	vmul.f32 v4, v4  }
0x12a: {  	v5 =	vmul.f32 v5, v5;
	v2 =	vadd.f32 v2, v13;
	v6 =	vsub.f32 v6, v7;
	v4 =	vld [tilespmem:s20+$0x4210]  }
0x12b: {  	v0 =	vadd.f32 v1, v0  }
0x12c: {  	v2 =	vadd.f32 v5, v2;
	v5 =	vmul.f32 v6, v6;
	v6 =	vsub.f32 v8, v49  }
0x12d: {  	(xrf2) =	vadd.scan.msk.f32 $0xffff, v0  }
0x12e: {  	v3 =	vsub.f32 v56, v3;
	v2 =	vadd.f32 v5, v2;
	v5 =	vmul.f32 v6, v6  }
0x12f: {  	v6 =	vsub.f32 v50, v51;
	v4 =	vsub.f32 v4, v58  }
0x130: {  	v3 =	vmul.f32 v3, v3;
	v2 =	vadd.f32 v5, v2  }
0x131: {  	v5 =	vmul.f32 v6, v6;
	v6 =	vsub.f32 v52, v55;
	v4 =	vmul.f32 v4, v4;
	_ =	sdelay $0x1  }
0x132: {  	v3 =	vadd.f32 v4, v3;
	v4 =	vmul.f32 v6, v6;
	_ =	sdelay $0x1  }
0x133: {  	v2 =	vadd.f32 v5, v2;
	_ =	sdelay $0x1  }
0x134: {  	v7 =	vld [tilespmem:s20+$0x18220];
	v63 =	vadd.f32 v4, v2;
	v4, _, _ =	vpop (xrf2)  }
0x135: {  	v1 =	vld [tilespmem:s20+$0x4220];
	(v2sf) =	vpush v4, $0xF  }
0x136: {  	v8 =	vld [tilespmem:s20+$0x18230]  }
0x137: {  	v0 =	vld [tilespmem:s20+$0x4230]  }
0x138: {  	v59 =	vld [tilespmem:s20+$0x4240]  }
0x139: {  	v60 =	vld [tilespmem:s20+$0x18240]  }
0x13a: {  	s18 =	smax.f32 s18, $9.999999960e-13;
	v61 =	vld [tilespmem:s20+$0x18250];
	v1 =	vsub.f32 v1, v7;
	(xrf2) =	vadd.scan.msk.f32 $0xffff, v63  }
0x13b: {  	s18 =	smin.f32 s18, $9.999999950e+11;
	v7 =	vld [tilespmem:s20+$0x4250]  }
0x13c: {  	s0 =	sadd.f32 s18, s0;
	s16 =	smax.f32 s16, $9.999999960e-13;
	v62 =	vld [tilespmem:s20+$0x18260];
	v1 =	vmul.f32 v1, v1;
	v0 =	vsub.f32 v0, v8  }
0x13d: {  	s16 =	smin.f32 s16, $9.999999950e+11;
	v8 =	vld [tilespmem:s20+$0x4260]  }
0x13e: {  	s0 =	sadd.f32 s16, s0;
	s15 =	smax.f32 s15, $9.999999960e-13;
	v6 =	vsub.f32 v59, v60;
	v3 =	vadd.f32 v1, v3;
	v5 =	vmul.f32 v0, v0;
	v0 =	vld [tilespmem:s20+$0x4270]  }
0x13f: {  	s18 =	smin.f32 s15, $9.999999950e+11;
	s15 =	simm.s32 $0x180;
	v1 =	vld [tilespmem:s20+$0x18270]  }
0x140: {  	s0 =	sadd.f32 s18, s0;
	s1 =	smax.f32 s1, $9.999999960e-13;
	v2 =	vld [tilespmem:s15+$0x4200];
	v6 =	vmul.f32 v6, v6;
	v7 =	vsub.f32 v7, v61;
	v3 =	vadd.f32 v5, v3  }
0x141: {  	s1 =	smin.f32 s1, $9.999999950e+11;
	v5 =	vld [tilespmem:s15+$0x4210]  }
0x142: {  	s0 =	sadd.f32 s1, s0;
	s1 =	simm.s32 $0x800;
	v4 =	vld [tilespmem:s15+$0x18200];
	v3 =	vadd.f32 v6, v3;
	v6 =	vmul.f32 v7, v7;
	v7 =	vsub.f32 v8, v62  }
.LBB2_6:
0x143: {  	p0 =	sne.s32 s1, $0xFE00;
	v8 =	vld [tilespmem:s15+$0x18210]  }
0x144: {  	v9 =	vld [tilespmem:s15+$0x4220];
	v3 =	vadd.f32 v6, v3;
	v6 =	vmul.f32 v7, v7;
	v0 =	vsub.f32 v0, v1;
	v1, _, _ =	vpop (xrf2);
	s16 =	spop (v2sf)  }
0x145: {  	v7 =	vld [tilespmem:s15+$0x18220];
	(v2sf) =	vpush v1, $0xF;
	s16 =	smax.f32 s16, $9.999999960e-13  }
0x146: {  	v1 =	vld [tilespmem:s15+$0x4230];
	v3 =	vadd.f32 v6, v3;
	v0 =	vmul.f32 v0, v0;
	s16 =	smin.f32 s16, $9.999999950e+11  }
0x147: {  	v2 =	vsub.f32 v2, v4;
	v4 =	vld [tilespmem:s15+$0x18230];
	s0 =	sadd.f32 s16, s0  }
0x148: {  	v5 =	vsub.f32 v5, v8;
	v6 =	vld [tilespmem:s15+$0x4240];
	v0 =	vadd.f32 v0, v3  }
0x149: {  	v3 =	vld [tilespmem:s15+$0x18240]  }
0x14a: {  	v2 =	vmul.f32 v2, v2;
	v5 =	vmul.f32 v5, v5;
	v7 =	vsub.f32 v9, v7;
	v8 =	vld [tilespmem:s15+$0x4250];
	(xrf2) =	vadd.scan.msk.f32 $0xffff, v0  }
0x14b: {  	v9 =	vld [tilespmem:s15+$0x18250]  }
0x14c: {  	v0 =	vadd.f32 v5, v2;
	v2 =	vmul.f32 v7, v7;
	v1 =	vsub.f32 v1, v4;
	v7 =	vld [tilespmem:s15+$0x4260]  }
0x14d: {  	v10 =	vld [tilespmem:s15+$0x18260]  }
.Ltmp2:
0x14e: {  	v4 =	vadd.f32 v2, v0;
	v5 =	vmul.f32 v1, v1;
	v3 =	vsub.f32 v6, v3;
	v0 =	vld [tilespmem:s15+$0x4270];
	(pc) =	sbr.rel @p0 .LBB2_6-.Ltmp2, $4  }
0x14f: {  	v1 =	vld [tilespmem:s15+$0x18270];
	s15 =	sshra.s32 s1, $0x2  }
0x150: {  	v2 =	vld [tilespmem:s15+$0x4200];
	v6 =	vadd.f32 v5, v4;
	v3 =	vmul.f32 v3, v3;
	v8 =	vsub.f32 v8, v9  }
0x151: {  	v4 =	vld [tilespmem:s15+$0x18200]  }
0x152: {  	s1 =	sadd.s32 $0x200, s1;
	v5 =	vld [tilespmem:s15+$0x4210];
	v3 =	vadd.f32 v3, v6;
	v6 =	vmul.f32 v8, v8;
	v7 =	vsub.f32 v7, v10  }
0x153: {  	v8 =	vld [tilespmem:s15+$0x18210]  }
0x154: {  	v9 =	vld [tilespmem:s15+$0x4220]  }
0x155: {  	v10 =	vld [tilespmem:s15+$0x18220]  }
0x156: {  	v11 =	vld [tilespmem:s15+$0x4230]  }
0x157: {  	v12 =	vld [tilespmem:s15+$0x18230]  }
0x158: {  	v2 =	vsub.f32 v2, v4;
	v4 =	vsub.f32 v5, v8;
	v5 =	vld [tilespmem:s15+$0x4240]  }
0x159: {  	v8 =	vld [tilespmem:s15+$0x18240]  }
0x15a: {  	v39 =	vld [tilespmem:s15+$0x4250];
	v2 =	vmul.f32 v2, v2;
	v9 =	vsub.f32 v9, v10;
	v4 =	vmul.f32 v4, v4  }
0x15b: {  	v13 =	vld [tilespmem:s15+$0x18250]  }
0x15c: {  	v41 =	vld [tilespmem:s15+$0x4260];
	v40 =	vsub.f32 v11, v12;
	v2 =	vadd.f32 v4, v2;
	v4 =	vmul.f32 v9, v9  }
0x15d: {  	v42 =	vld [tilespmem:s15+$0x18260]  }
0x15e: {  	v43 =	vld [tilespmem:s15+$0x18270];
	v5 =	vsub.f32 v5, v8;
	v2 =	vadd.f32 v4, v2;
	v4 =	vmul.f32 v40, v40  }
0x15f: {  	v8 =	vld [tilespmem:s15+$0x4270]  }
0x160: {  	v2 =	vadd.f32 v4, v2;
	v4 =	vmul.f32 v5, v5;
	v5 =	vsub.f32 v39, v13;
	_ =	sdelay $0x1  }
0x161: {  	v2 =	vadd.f32 v4, v2;
	v4 =	vmul.f32 v5, v5;
	v5 =	vsub.f32 v41, v42  }
0x162: {  	v3 =	vadd.f32 v6, v3;
	v6 =	vmul.f32 v7, v7;
	v0 =	vsub.f32 v0, v1  }
0x163: {  	v1 =	vadd.f32 v4, v2;
	v2 =	vmul.f32 v5, v5;
	v4 =	vsub.f32 v8, v43  }
0x164: {  	v3 =	vadd.f32 v6, v3;
	v0 =	vmul.f32 v0, v0  }
0x165: {  	v1 =	vadd.f32 v2, v1;
	v2 =	vmul.f32 v4, v4  }
0x166: {  	v0 =	vadd.f32 v0, v3  }
0x167: {  	v1 =	vadd.f32 v2, v1  }
0x168: {  	(xrf2) =	vadd.scan.msk.f32 $0xffff, v0  }
0x169: {  	(xrf2) =	vadd.scan.msk.f32 $0xffff, v1;
	_ =	sdelay $0x7  }
0x16a: {  	v0, _, _ =	vpop (xrf2)  }
0x16b: {  	(v2sf) =	vpush v0, $0xF;
	v1, _, _ =	vpop (xrf2)  }
0x16c: {  	(v2sf) =	vpush v1, $0xF;
	v0, _, _ =	vpop (xrf2)  }
0x16d: {  	(v2sf) =	vpush v0, $0xF;
	_ =	sdelay $0xb  }
0x16e: {  	s18 =	spop (v2sf)  }
0x16f: {  	s16 =	spop (v2sf)  }
0x170: {  	s15 =	spop (v2sf)  }
0x171: {  	s1 =	spop (v2sf)  }
0x172: {  	_ =	swait.ge [sflag:s22], $0x4000  }
0x173: {  	[sflag:s22] =	ssyncset.done $0x0  }
0x174: {  	[sflag:s22] =	ssyncadd.s32 $0xFFFFC000  }
0x175: {  	_ =	swait.ge [sflag:s22], $0x4000  }
0x176: {  	[sflag:s22] =	ssyncset.done $0x0  }
0x177: {  	s20 =	simm.s32 $0x0;
	[sflag:s22] =	ssyncadd.s32 $0xFFFFC000  }
0x178: {  	v0 =	vld [tilespmem:s20+$0x8200]  }
0x179: {  	v1 =	vld [tilespmem:s20+$0x10200]  }
0x17a: {  	v2 =	vld [tilespmem:s20+$0x8210]  }
0x17b: {  	v3 =	vld [tilespmem:s20+$0x10210]  }
0x17c: {  	v4 =	vld [tilespmem:s20+$0x8220]  }
0x17d: {  	v5 =	vld [tilespmem:s20+$0x10220]  }
0x17e: {  	v6 =	vld [tilespmem:s20+$0x8230]  }
0x17f: {  	v7 =	vld [tilespmem:s20+$0x10230]  }
0x180: {  	v8 =	vld [tilespmem:s20+$0x8240]  }
0x181: {  	v44 =	vld [tilespmem:s20+$0x10240]  }
0x182: {  	v45 =	vld [tilespmem:s20+$0x8250]  }
0x183: {  	v46 =	vld [tilespmem:s20+$0x10250]  }
0x184: {  	v47 =	vld [tilespmem:s20+$0x8260]  }
0x185: {  	v48 =	vld [tilespmem:s20+$0x10260]  }
0x186: {  	v14 =	vld [tilespmem:s20+$0x8270]  }
0x187: {  	v15 =	vld [tilespmem:s20+$0x10270];
	s20 =	simm.s32 $0x80  }
0x188: {  	v16 =	vld [tilespmem:s20+$0x8200]  }
0x189: {  	v17 =	vld [tilespmem:s20+$0x10200]  }
0x18a: {  	v18 =	vld [tilespmem:s20+$0x8210]  }
0x18b: {  	v19 =	vld [tilespmem:s20+$0x10210]  }
0x18c: {  	v20 =	vld [tilespmem:s20+$0x10230];
	v0 =	vsub.f32 v0, v1;
	v1 =	vsub.f32 v2, v3  }
0x18d: {  	v49 =	vld [tilespmem:s20+$0x10250]  }
0x18e: {  	v50 =	vld [tilespmem:s20+$0x8260];
	v4 =	vsub.f32 v4, v5;
	v0 =	vmul.f32 v0, v0;
	v1 =	vmul.f32 v1, v1  }
0x18f: {  	v51 =	vld [tilespmem:s20+$0x10260]  }
0x190: {  	v52 =	vld [tilespmem:s20+$0x8270];
	v0 =	vadd.f32 v1, v0;
	v1 =	vmul.f32 v4, v4;
	v4 =	vsub.f32 v6, v7  }
0x191: {  	v2 =	vld [tilespmem:s20+$0x8220]  }
0x192: {  	v3 =	vld [tilespmem:s20+$0x10220];
	v0 =	vadd.f32 v1, v0;
	v1 =	vmul.f32 v4, v4;
	v4 =	vsub.f32 v8, v44  }
0x193: {  	v55 =	vld [tilespmem:s20+$0x10270]  }
0x194: {  	v5 =	vld [tilespmem:s20+$0x8230];
	v0 =	vadd.f32 v1, v0;
	v1 =	vmul.f32 v4, v4;
	v4 =	vsub.f32 v45, v46  }
0x195: {  	v53 =	vsub.f32 v16, v17;
	v54 =	vsub.f32 v18, v19;
	v6 =	vld [tilespmem:s20+$0x8240]  }
0x196: {  	v7 =	vld [tilespmem:s20+$0x10240];
	v0 =	vadd.f32 v1, v0;
	v1 =	vmul.f32 v4, v4;
	v4 =	vsub.f32 v47, v48  }
0x197: {  	v13 =	vmul.f32 v53, v53;
	v57 =	vmul.f32 v54, v54;
	v2 =	vsub.f32 v2, v3;
	v8 =	vld [tilespmem:s20+$0x8250];
	s20 =	simm.s32 $0x100  }
0x198: {  	v56 =	vld [tilespmem:s20+$0x8200];
	v0 =	vadd.f32 v1, v0;
	v1 =	vmul.f32 v4, v4;
	v4 =	vsub.f32 v14, v15  }
0x199: {  	v13 =	vadd.f32 v57, v13;
	v5 =	vsub.f32 v5, v20;
	v3 =	vld [tilespmem:s20+$0x10200];
	v2 =	vmul.f32 v2, v2  }
0x19a: {  	v58 =	vld [tilespmem:s20+$0x10210];
	v0 =	vadd.f32 v1, v0;
	v1 =	vmul.f32 v4, v4  }
0x19b: {  	v5 =	vmul.f32 v5, v5;
	v2 =	vadd.f32 v2, v13;
	v6 =	vsub.f32 v6, v7;
	v4 =	vld [tilespmem:s20+$0x8210]  }
0x19c: {  	v0 =	vadd.f32 v1, v0  }
0x19d: {  	v2 =	vadd.f32 v5, v2;
	v5 =	vmul.f32 v6, v6;
	v6 =	vsub.f32 v8, v49  }
0x19e: {  	(xrf2) =	vadd.scan.msk.f32 $0xffff, v0  }
0x19f: {  	v3 =	vsub.f32 v56, v3;
	v2 =	vadd.f32 v5, v2;
	v5 =	vmul.f32 v6, v6  }
0x1a0: {  	v6 =	vsub.f32 v50, v51;
	v4 =	vsub.f32 v4, v58  }
0x1a1: {  	v3 =	vmul.f32 v3, v3;
	v2 =	vadd.f32 v5, v2  }
0x1a2: {  	v5 =	vmul.f32 v6, v6;
	v6 =	vsub.f32 v52, v55;
	v4 =	vmul.f32 v4, v4;
	_ =	sdelay $0x1  }
0x1a3: {  	v3 =	vadd.f32 v4, v3;
	v4 =	vmul.f32 v6, v6;
	_ =	sdelay $0x1  }
0x1a4: {  	v2 =	vadd.f32 v5, v2;
	_ =	sdelay $0x1  }
0x1a5: {  	v7 =	vld [tilespmem:s20+$0x10220];
	v63 =	vadd.f32 v4, v2;
	v4, _, _ =	vpop (xrf2)  }
0x1a6: {  	v1 =	vld [tilespmem:s20+$0x8220];
	(v2sf) =	vpush v4, $0xF  }
0x1a7: {  	v8 =	vld [tilespmem:s20+$0x10230]  }
0x1a8: {  	v0 =	vld [tilespmem:s20+$0x8230]  }
0x1a9: {  	v59 =	vld [tilespmem:s20+$0x8240]  }
0x1aa: {  	v60 =	vld [tilespmem:s20+$0x10240]  }
0x1ab: {  	s18 =	smax.f32 s18, $9.999999960e-13;
	v61 =	vld [tilespmem:s20+$0x10250];
	v1 =	vsub.f32 v1, v7;
	(xrf2) =	vadd.scan.msk.f32 $0xffff, v63  }
0x1ac: {  	s18 =	smin.f32 s18, $9.999999950e+11;
	v7 =	vld [tilespmem:s20+$0x8250]  }
0x1ad: {  	s0 =	sadd.f32 s18, s0;
	s16 =	smax.f32 s16, $9.999999960e-13;
	v62 =	vld [tilespmem:s20+$0x10260];
	v1 =	vmul.f32 v1, v1;
	v0 =	vsub.f32 v0, v8  }
0x1ae: {  	s16 =	smin.f32 s16, $9.999999950e+11;
	v8 =	vld [tilespmem:s20+$0x8260]  }
0x1af: {  	s0 =	sadd.f32 s16, s0;
	s15 =	smax.f32 s15, $9.999999960e-13;
	v6 =	vsub.f32 v59, v60;
	v3 =	vadd.f32 v1, v3;
	v5 =	vmul.f32 v0, v0;
	v0 =	vld [tilespmem:s20+$0x8270]  }
0x1b0: {  	s18 =	smin.f32 s15, $9.999999950e+11;
	s15 =	simm.s32 $0x180;
	v1 =	vld [tilespmem:s20+$0x10270]  }
0x1b1: {  	s0 =	sadd.f32 s18, s0;
	s1 =	smax.f32 s1, $9.999999960e-13;
	v2 =	vld [tilespmem:s15+$0x8200];
	v6 =	vmul.f32 v6, v6;
	v7 =	vsub.f32 v7, v61;
	v3 =	vadd.f32 v5, v3  }
0x1b2: {  	s1 =	smin.f32 s1, $9.999999950e+11;
	v5 =	vld [tilespmem:s15+$0x8210]  }
0x1b3: {  	s0 =	sadd.f32 s1, s0;
	s1 =	simm.s32 $0x800;
	v4 =	vld [tilespmem:s15+$0x10200];
	v3 =	vadd.f32 v6, v3;
	v6 =	vmul.f32 v7, v7;
	v7 =	vsub.f32 v8, v62  }
.LBB2_8:
0x1b4: {  	p0 =	sne.s32 s1, $0xFE00;
	v8 =	vld [tilespmem:s15+$0x10210]  }
0x1b5: {  	v9 =	vld [tilespmem:s15+$0x8220];
	v3 =	vadd.f32 v6, v3;
	v6 =	vmul.f32 v7, v7;
	v0 =	vsub.f32 v0, v1;
	v1, _, _ =	vpop (xrf2);
	s16 =	spop (v2sf)  }
0x1b6: {  	v7 =	vld [tilespmem:s15+$0x10220];
	(v2sf) =	vpush v1, $0xF;
	s16 =	smax.f32 s16, $9.999999960e-13  }
0x1b7: {  	v1 =	vld [tilespmem:s15+$0x8230];
	v3 =	vadd.f32 v6, v3;
	v0 =	vmul.f32 v0, v0;
	s16 =	smin.f32 s16, $9.999999950e+11  }
0x1b8: {  	v2 =	vsub.f32 v2, v4;
	v4 =	vld [tilespmem:s15+$0x10230];
	s0 =	sadd.f32 s16, s0  }
0x1b9: {  	v5 =	vsub.f32 v5, v8;
	v6 =	vld [tilespmem:s15+$0x8240];
	v0 =	vadd.f32 v0, v3  }
0x1ba: {  	v3 =	vld [tilespmem:s15+$0x10240]  }
0x1bb: {  	v2 =	vmul.f32 v2, v2;
	v5 =	vmul.f32 v5, v5;
	v7 =	vsub.f32 v9, v7;
	v8 =	vld [tilespmem:s15+$0x8250];
	(xrf2) =	vadd.scan.msk.f32 $0xffff, v0  }
0x1bc: {  	v9 =	vld [tilespmem:s15+$0x10250]  }
0x1bd: {  	v0 =	vadd.f32 v5, v2;
	v2 =	vmul.f32 v7, v7;
	v1 =	vsub.f32 v1, v4;
	v7 =	vld [tilespmem:s15+$0x8260]  }
0x1be: {  	v10 =	vld [tilespmem:s15+$0x10260]  }
.Ltmp3:
0x1bf: {  	v4 =	vadd.f32 v2, v0;
	v5 =	vmul.f32 v1, v1;
	v3 =	vsub.f32 v6, v3;
	v0 =	vld [tilespmem:s15+$0x8270];
	(pc) =	sbr.rel @p0 .LBB2_8-.Ltmp3, $4  }
0x1c0: {  	v1 =	vld [tilespmem:s15+$0x10270];
	s15 =	sshra.s32 s1, $0x2  }
0x1c1: {  	v2 =	vld [tilespmem:s15+$0x8200];
	v6 =	vadd.f32 v5, v4;
	v3 =	vmul.f32 v3, v3;
	v8 =	vsub.f32 v8, v9  }
0x1c2: {  	v4 =	vld [tilespmem:s15+$0x10200]  }
0x1c3: {  	s1 =	sadd.s32 $0x200, s1;
	v5 =	vld [tilespmem:s15+$0x8210];
	v3 =	vadd.f32 v3, v6;
	v6 =	vmul.f32 v8, v8;
	v7 =	vsub.f32 v7, v10  }
0x1c4: {  	v8 =	vld [tilespmem:s15+$0x10210]  }
0x1c5: {  	v9 =	vld [tilespmem:s15+$0x8220]  }
0x1c6: {  	v10 =	vld [tilespmem:s15+$0x10220]  }
0x1c7: {  	v11 =	vld [tilespmem:s15+$0x8230]  }
0x1c8: {  	v12 =	vld [tilespmem:s15+$0x10230]  }
0x1c9: {  	v2 =	vsub.f32 v2, v4;
	v4 =	vsub.f32 v5, v8;
	v5 =	vld [tilespmem:s15+$0x8240]  }
0x1ca: {  	v8 =	vld [tilespmem:s15+$0x10240]  }
0x1cb: {  	v41 =	vld [tilespmem:s15+$0x8250];
	v2 =	vmul.f32 v2, v2;
	v9 =	vsub.f32 v9, v10;
	v4 =	vmul.f32 v4, v4  }
0x1cc: {  	v13 =	vld [tilespmem:s15+$0x10250]  }
0x1cd: {  	v43 =	vld [tilespmem:s15+$0x8260];
	v42 =	vsub.f32 v11, v12;
	v2 =	vadd.f32 v4, v2;
	v4 =	vmul.f32 v9, v9  }
0x1ce: {  	v44 =	vld [tilespmem:s15+$0x10260]  }
0x1cf: {  	v45 =	vld [tilespmem:s15+$0x10270];
	v5 =	vsub.f32 v5, v8;
	v2 =	vadd.f32 v4, v2;
	v4 =	vmul.f32 v42, v42  }
0x1d0: {  	v8 =	vld [tilespmem:s15+$0x8270]  }
0x1d1: {  	v2 =	vadd.f32 v4, v2;
	v4 =	vmul.f32 v5, v5;
	v5 =	vsub.f32 v41, v13;
	_ =	sdelay $0x1  }
0x1d2: {  	v2 =	vadd.f32 v4, v2;
	v4 =	vmul.f32 v5, v5;
	v5 =	vsub.f32 v43, v44  }
0x1d3: {  	v3 =	vadd.f32 v6, v3;
	v6 =	vmul.f32 v7, v7;
	v0 =	vsub.f32 v0, v1  }
0x1d4: {  	v1 =	vadd.f32 v4, v2;
	v2 =	vmul.f32 v5, v5;
	v4 =	vsub.f32 v8, v45  }
0x1d5: {  	v3 =	vadd.f32 v6, v3;
	v0 =	vmul.f32 v0, v0  }
0x1d6: {  	v1 =	vadd.f32 v2, v1;
	v2 =	vmul.f32 v4, v4  }
0x1d7: {  	v0 =	vadd.f32 v0, v3  }
0x1d8: {  	v1 =	vadd.f32 v2, v1  }
0x1d9: {  	(xrf2) =	vadd.scan.msk.f32 $0xffff, v0  }
0x1da: {  	(xrf2) =	vadd.scan.msk.f32 $0xffff, v1;
	_ =	sdelay $0x7  }
0x1db: {  	v0, _, _ =	vpop (xrf2)  }
0x1dc: {  	(v2sf) =	vpush v0, $0xF;
	v1, _, _ =	vpop (xrf2)  }
0x1dd: {  	(v2sf) =	vpush v1, $0xF;
	v0, _, _ =	vpop (xrf2)  }
0x1de: {  	(v2sf) =	vpush v0, $0xF;
	_ =	sdelay $0xb  }
0x1df: {  	s18 =	spop (v2sf)  }
0x1e0: {  	s16 =	spop (v2sf)  }
0x1e1: {  	s15 =	spop (v2sf)  }
0x1e2: {  	s1 =	spop (v2sf)  }
0x1e3: {  	_ =	swait.ge [sflag:s25], $0x4000  }
0x1e4: {  	[sflag:s25] =	ssyncset.done $0x0  }
0x1e5: {  	[sflag:s25] =	ssyncadd.s32 $0xFFFFC000  }
0x1e6: {  	_ =	swait.ge [sflag:s25], $0x4000  }
0x1e7: {  	[sflag:s25] =	ssyncset.done $0x0  }
0x1e8: {  	s20 =	simm.s32 $0x0;
	[sflag:s25] =	ssyncadd.s32 $0xFFFFC000  }
0x1e9: {  	v0 =	vld [tilespmem:s20+$0xC200]  }
0x1ea: {  	v1 =	vld [tilespmem:s20+$0x14200]  }
0x1eb: {  	v2 =	vld [tilespmem:s20+$0xC210]  }
0x1ec: {  	v3 =	vld [tilespmem:s20+$0x14210]  }
0x1ed: {  	v4 =	vld [tilespmem:s20+$0xC220]  }
0x1ee: {  	v5 =	vld [tilespmem:s20+$0x14220]  }
0x1ef: {  	v6 =	vld [tilespmem:s20+$0xC230]  }
0x1f0: {  	v7 =	vld [tilespmem:s20+$0x14230]  }
0x1f1: {  	v8 =	vld [tilespmem:s20+$0xC240]  }
0x1f2: {  	v46 =	vld [tilespmem:s20+$0x14240]  }
0x1f3: {  	v47 =	vld [tilespmem:s20+$0xC250]  }
0x1f4: {  	v48 =	vld [tilespmem:s20+$0x14250]  }
0x1f5: {  	v49 =	vld [tilespmem:s20+$0xC260]  }
0x1f6: {  	v50 =	vld [tilespmem:s20+$0x14260]  }
0x1f7: {  	v14 =	vld [tilespmem:s20+$0xC270]  }
0x1f8: {  	v15 =	vld [tilespmem:s20+$0x14270];
	s20 =	simm.s32 $0x80  }
0x1f9: {  	v16 =	vld [tilespmem:s20+$0xC200]  }
0x1fa: {  	v17 =	vld [tilespmem:s20+$0x14200]  }
0x1fb: {  	v18 =	vld [tilespmem:s20+$0xC210]  }
0x1fc: {  	v19 =	vld [tilespmem:s20+$0x14210]  }
0x1fd: {  	v20 =	vld [tilespmem:s20+$0x14230]  }
0x1fe: {  	v51 =	vld [tilespmem:s20+$0x14250];
	v0 =	vsub.f32 v0, v1;
	v1 =	vsub.f32 v2, v3  }
0x1ff: {  	v52 =	vld [tilespmem:s20+$0xC260]  }
0x200: {  	v53 =	vld [tilespmem:s20+$0x14260];
	v4 =	vsub.f32 v4, v5;
	v0 =	vmul.f32 v0, v0;
	v1 =	vmul.f32 v1, v1  }
0x201: {  	v54 =	vld [tilespmem:s20+$0xC270]  }
0x202: {  	v57 =	vld [tilespmem:s20+$0x14270];
	v0 =	vadd.f32 v1, v0;
	v1 =	vmul.f32 v4, v4;
	v4 =	vsub.f32 v6, v7  }
0x203: {  	v2 =	vld [tilespmem:s20+$0xC220]  }
0x204: {  	v3 =	vld [tilespmem:s20+$0x14220];
	v0 =	vadd.f32 v1, v0;
	v1 =	vmul.f32 v4, v4;
	v4 =	vsub.f32 v8, v46  }
0x205: {  	v5 =	vld [tilespmem:s20+$0xC230]  }
0x206: {  	v6 =	vld [tilespmem:s20+$0xC240];
	v0 =	vadd.f32 v1, v0;
	v1 =	vmul.f32 v4, v4;
	v4 =	vsub.f32 v47, v48  }
0x207: {  	v55 =	vsub.f32 v16, v17;
	v56 =	vsub.f32 v18, v19;
	v7 =	vld [tilespmem:s20+$0x14240]  }
0x208: {  	v8 =	vld [tilespmem:s20+$0xC250];
	s20 =	simm.s32 $0x100;
	v0 =	vadd.f32 v1, v0;
	v1 =	vmul.f32 v4, v4;
	v4 =	vsub.f32 v49, v50  }
0x209: {  	v13 =	vmul.f32 v55, v55;
	v59 =	vmul.f32 v56, v56;
	v2 =	vsub.f32 v2, v3;
	v58 =	vld [tilespmem:s20+$0xC200]  }
0x20a: {  	v3 =	vld [tilespmem:s20+$0x14200];
	v0 =	vadd.f32 v1, v0;
	v1 =	vmul.f32 v4, v4;
	v4 =	vsub.f32 v14, v15  }
0x20b: {  	v13 =	vadd.f32 v59, v13;
	v5 =	vsub.f32 v5, v20;
	v60 =	vld [tilespmem:s20+$0x14210]  }
0x20c: {  	v2 =	vmul.f32 v2, v2;
	v0 =	vadd.f32 v1, v0;
	v1 =	vmul.f32 v4, v4;
	v4 =	vld [tilespmem:s20+$0xC210]  }
0x20d: {  	v6 =	vsub.f32 v6, v7;
	v7 =	vld [tilespmem:s20+$0x14220]  }
0x20e: {  	v5 =	vmul.f32 v5, v5;
	v2 =	vadd.f32 v2, v13;
	v0 =	vadd.f32 v1, v0;
	v1 =	vld [tilespmem:s20+$0xC220];
	_ =	sdelay $0x1  }
0x20f: {  	v2 =	vadd.f32 v5, v2;
	v5 =	vmul.f32 v6, v6;
	v6 =	vsub.f32 v8, v51  }
0x210: {  	v8 =	vld [tilespmem:s20+$0x14230];
	v3 =	vsub.f32 v58, v3;
	(xrf2) =	vadd.scan.msk.f32 $0xffff, v0;
	v4 =	vsub.f32 v4, v60  }
0x211: {  	v0 =	vld [tilespmem:s20+$0xC230]  }
0x212: {  	v3 =	vmul.f32 v3, v3;
	v4 =	vmul.f32 v4, v4;
	v1 =	vsub.f32 v1, v7  }
0x213: {  	v2 =	vadd.f32 v5, v2;
	v5 =	vmul.f32 v6, v6  }
0x214: {  	v6 =	vsub.f32 v52, v53;
	v3 =	vadd.f32 v4, v3;
	v1 =	vmul.f32 v1, v1  }
0x215: {  	v2 =	vadd.f32 v5, v2  }
0x216: {  	v5 =	vmul.f32 v6, v6;
	v0 =	vsub.f32 v0, v8;
	v3 =	vadd.f32 v1, v3;
	_ =	sdelay $0x1  }
0x217: {  	v2 =	vadd.f32 v5, v2;
	v5 =	vmul.f32 v0, v0;
	_ =	sdelay $0x1  }
0x218: {  	v6 =	vsub.f32 v54, v57;
	v5 =	vadd.f32 v5, v3;
	v3, _, _ =	vpop (xrf2)  }
0x219: {  	(v2sf) =	vpush v3, $0xF  }
0x21a: {  	v4 =	vmul.f32 v6, v6;
	_ =	sdelay $0x1  }
0x21b: {  	v61 =	vld [tilespmem:s20+$0xC240];
	v4 =	vadd.f32 v4, v2  }
0x21c: {  	v62 =	vld [tilespmem:s20+$0x14240]  }
0x21d: {  	s18 =	smax.f32 s18, $9.999999960e-13;
	v63 =	vld [tilespmem:s20+$0x14250];
	(xrf2) =	vadd.scan.msk.f32 $0xffff, v4  }
0x21e: {  	s18 =	smin.f32 s18, $9.999999950e+11;
	v7 =	vld [tilespmem:s20+$0xC250]  }
0x21f: {  	s0 =	sadd.f32 s18, s0;
	s16 =	smax.f32 s16, $9.999999960e-13;
	v8 =	vld [tilespmem:s20+$0xC260]  }
0x220: {  	s16 =	smin.f32 s16, $9.999999950e+11;
	v6 =	vld [tilespmem:s20+$0x14260]  }
0x221: {  	s0 =	sadd.f32 s16, s0;
	s15 =	smax.f32 s15, $9.999999960e-13;
	v9 =	vsub.f32 v61, v62;
	v0 =	vld [tilespmem:s20+$0xC270]  }
0x222: {  	s18 =	smin.f32 s15, $9.999999950e+11;
	s15 =	simm.s32 $0x180;
	v1 =	vld [tilespmem:s20+$0x14270]  }
0x223: {  	s0 =	sadd.f32 s18, s0;
	s1 =	smax.f32 s1, $9.999999960e-13;
	v9 =	vmul.f32 v9, v9;
	v2 =	vld [tilespmem:s15+$0xC200];
	v7 =	vsub.f32 v7, v63  }
0x224: {  	s1 =	smin.f32 s1, $9.999999950e+11;
	v4 =	vld [tilespmem:s15+$0xC210]  }
0x225: {  	s0 =	sadd.f32 s1, s0;
	s1 =	simm.s32 $0x800;
	v7 =	vmul.f32 v7, v7;
	v6 =	vsub.f32 v8, v6;
	v5 =	vadd.f32 v9, v5;
	v3 =	vld [tilespmem:s15+$0x14200]  }
.LBB2_10:
0x226: {  	p0 =	sne.s32 s1, $0xFE00;
	v8 =	vld [tilespmem:s15+$0x14210]  }
0x227: {  	v9 =	vld [tilespmem:s15+$0xC220];
	v5 =	vadd.f32 v7, v5;
	v6 =	vmul.f32 v6, v6;
	v0 =	vsub.f32 v0, v1;
	v1, _, _ =	vpop (xrf2);
	s16 =	spop (v2sf)  }
0x228: {  	v7 =	vld [tilespmem:s15+$0x14220];
	(v2sf) =	vpush v1, $0xF;
	s16 =	smax.f32 s16, $9.999999960e-13  }
0x229: {  	v1 =	vld [tilespmem:s15+$0xC230];
	v5 =	vadd.f32 v6, v5;
	v0 =	vmul.f32 v0, v0;
	s16 =	smin.f32 s16, $9.999999950e+11  }
0x22a: {  	v2 =	vsub.f32 v2, v3;
	v3 =	vld [tilespmem:s15+$0x14230];
	s0 =	sadd.f32 s16, s0  }
0x22b: {  	v4 =	vsub.f32 v4, v8;
	v6 =	vld [tilespmem:s15+$0xC240];
	v0 =	vadd.f32 v0, v5  }
0x22c: {  	v5 =	vld [tilespmem:s15+$0x14240]  }
0x22d: {  	v2 =	vmul.f32 v2, v2;
	v4 =	vmul.f32 v4, v4;
	v7 =	vsub.f32 v9, v7;
	v8 =	vld [tilespmem:s15+$0xC250];
	(xrf2) =	vadd.scan.msk.f32 $0xffff, v0  }
0x22e: {  	v9 =	vld [tilespmem:s15+$0x14250]  }
0x22f: {  	v0 =	vadd.f32 v4, v2;
	v2 =	vmul.f32 v7, v7;
	v1 =	vsub.f32 v1, v3;
	v10 =	vld [tilespmem:s15+$0xC260]  }
0x230: {  	v11 =	vld [tilespmem:s15+$0x14260]  }
.Ltmp4:
0x231: {  	v3 =	vadd.f32 v2, v0;
	v4 =	vmul.f32 v1, v1;
	v5 =	vsub.f32 v6, v5;
	v0 =	vld [tilespmem:s15+$0xC270];
	(pc) =	sbr.rel @p0 .LBB2_10-.Ltmp4, $4  }
0x232: {  	v1 =	vld [tilespmem:s15+$0x14270];
	s15 =	sshra.s32 s1, $0x2  }
0x233: {  	v2 =	vld [tilespmem:s15+$0xC200];
	v6 =	vadd.f32 v4, v3;
	v5 =	vmul.f32 v5, v5;
	v7 =	vsub.f32 v8, v9  }
0x234: {  	v3 =	vld [tilespmem:s15+$0x14200]  }
0x235: {  	s1 =	sadd.s32 $0x200, s1;
	v4 =	vld [tilespmem:s15+$0xC210];
	v5 =	vadd.f32 v5, v6;
	v7 =	vmul.f32 v7, v7;
	v6 =	vsub.f32 v10, v11  }
0x236: {  	v8 =	vld [tilespmem:s15+$0x14210]  }
0x237: {  	v9 =	vld [tilespmem:s15+$0xC220]  }
0x238: {  	v10 =	vld [tilespmem:s15+$0x14220]  }
0x239: {  	v11 =	vld [tilespmem:s15+$0xC230]  }
0x23a: {  	v12 =	vld [tilespmem:s15+$0x14230]  }
0x23b: {  	v42 =	vld [tilespmem:s15+$0xC240];
	v2 =	vsub.f32 v2, v3;
	v41 =	vsub.f32 v4, v8  }
0x23c: {  	v43 =	vld [tilespmem:s15+$0x14240]  }
0x23d: {  	v44 =	vld [tilespmem:s15+$0xC250];
	v2 =	vmul.f32 v2, v2;
	v9 =	vsub.f32 v9, v10;
	v3 =	vmul.f32 v41, v41  }
0x23e: {  	v13 =	vld [tilespmem:s15+$0x14250]  }
0x23f: {  	v47 =	vld [tilespmem:s15+$0xC260];
	v46 =	vsub.f32 v11, v12;
	v45 =	vmul.f32 v9, v9;
	v2 =	vadd.f32 v3, v2  }
0x240: {  	v48 =	vld [tilespmem:s15+$0x14260]  }
0x241: {  	v50 =	vld [tilespmem:s15+$0xC270];
	v4 =	vsub.f32 v42, v43;
	v49 =	vmul.f32 v46, v46;
	v2 =	vadd.f32 v45, v2  }
0x242: {  	v51 =	vld [tilespmem:s15+$0x14270]  }
0x243: {  	v52 =	vsub.f32 v44, v13;
	v4 =	vmul.f32 v4, v4;
	v2 =	vadd.f32 v49, v2  }
0x244: {  	v5 =	vadd.f32 v7, v5;
	v0 =	vsub.f32 v0, v1;
	v53 =	vmul.f32 v6, v6  }
0x245: {  	v54 =	vsub.f32 v47, v48;
	v3 =	vmul.f32 v52, v52;
	v2 =	vadd.f32 v4, v2  }
0x246: {  	v1 =	vadd.f32 v53, v5;
	v0 =	vmul.f32 v0, v0  }
0x247: {  	v56 =	vsub.f32 v50, v51;
	v55 =	vmul.f32 v54, v54;
	v2 =	vadd.f32 v3, v2;
	_ =	sdelay $0x1  }
0x248: {  	v0 =	vadd.f32 v0, v1;
	v58 =	vmul.f32 v56, v56;
	v57 =	vadd.f32 v55, v2;
	_ =	sdelay $0x1  }
0x249: {  	(xrf2) =	vadd.scan.msk.f32 $0xffff, v0;
	v59 =	vadd.f32 v58, v57;
	_ =	sdelay $0x1  }
0x24a: {  	(xrf2) =	vadd.scan.msk.f32 $0xffff, v59;
	_ =	sdelay $0x5  }
0x24b: {  	v60, _, _ =	vpop (xrf2)  }
0x24c: {  	(v2sf) =	vpush v60, $0xF  }
0x24d: {  	v61, _, _ =	vpop (xrf2)  }
0x24e: {  	(v2sf) =	vpush v61, $0xF  }
0x24f: {  	v62, _, _ =	vpop (xrf2)  }
0x250: {  	(v2sf) =	vpush v62, $0xF;
	_ =	sdelay $0x8  }
0x251: {  	s1 =	spop (v2sf)  }
0x252: {  	s1 =	smax.f32 s1, $9.999999960e-13  }
0x253: {  	s1 =	smin.f32 s1, $9.999999950e+11;
	s16 =	spop (v2sf)  }
0x254: {  	s0 =	sadd.f32 s1, s0;
	s18 =	smax.f32 s16, $9.999999960e-13  }
0x255: {  	s1 =	smin.f32 s18, $9.999999950e+11;
	s20 =	spop (v2sf)  }
0x256: {  	s0 =	sadd.f32 s1, s0;
	s16 =	smax.f32 s20, $9.999999960e-13  }
0x257: {  	s1 =	smin.f32 s16, $9.999999950e+11;
	s18 =	spop (v2sf)  }
0x258: {  	s0 =	sadd.f32 s1, s0;
	s20 =	smax.f32 s18, $9.999999960e-13  }
0x259: {  	s1 =	smin.f32 s20, $9.999999950e+11  }
0x25a: {  	s0 =	sadd.f32 s1, s0;
	_ =	sdelay $0x1  }
0x25b: {  	s0 =	smul.f32 $6.103515630e-05, s0;
	_ =	sdelay $0x1  }
0x25c: {  	s31 =	sadd.s32 $0x1, s31;
	v63 =	vmov s0  }
0x25d: {  	p0 =	sne.s32 s31, s11;
	v0 =	vnsel vm0, $0x0, v63  }
.Ltmp5:
0x25e: {  	[tilespmem:$0x1C200] =	vst v0;
	(pc) =	sbr.rel @p0 .LBB2_1-.Ltmp5, $4  }
0x25f: {  	[hbm4b:s10+s3] =	stream.linear.scatter [tilespmem:s30], [sflag:$0x4], $0x80, $0x38;
	[tilespmem:$0x1C280] =	vst v63  }
0x260: {  	_ =	swait.ge [sflag:s12], $0x80  }
0x261: {  	[sflag:s12] =	ssyncset.done $0x0  }
0x262: {  	[sflag:s12] =	ssyncadd.s32 $0xFFFFFF80  }
0x263: {  	_ =	sfence.sel $0x180000  }
0x264: {  	[bflag:$0x0] =	sbarrier.arrive $0xFFFF  }
0x265: {  	_ =	strace $0x90000047  }
0x266: {  	s0 =	stileid.u32;
	[bflag:$0x2] =	sbarrier.arrive $0xFFFF  }
0x267: {  	p0 =	sne.s32 s0, $0x0;
	s0 =	rddreg [dreg:$0x4]  }
0x268: {  	s0 =	sadd.s32 @!p0 $0x100000, s0  }
0x269: {  	[sflag:s0] =	ssyncadd.tile.s32 @!p0 $0x1;
	_ =	shalt  }
.Lfunc_end2:
_tile_overlayer_lowered:
.L_overlay_start_2:
0x26a: {  	(tag) =	ssettag $0x2  }
0x26b: {  	s0 =	rddreg [dreg:$0x0];
	s2 =	stileid.u32  }
0x26c: {  	s1 =	rddreg [dreg:$0x1];
	p0 =	sne.s32 s2, $0x0  }
0x26d: {  	s3 =	rddreg [dreg:$0x2];
	[bflag:$0x3] =	sbarrier.arrive $0xFFFF;
	s2 =	simm.s32 @!p0 $0x1C04  }
0x26e: {  	[timem:s3], [sflag:s2] =	dma.local @!p0 [hbm:s0], s1  }
0x26f: {  	s0 =	simm.s32 @!p0 $0x4  }
0x270: {  	_ =	swait.ge @!p0 [sflag:s0], s1  }
0x271: {  	s1 =	ssub.s32 @!p0 $0x0, s1;
	[sflag:s0] =	ssyncset.done @!p0 $0x0  }
0x272: {  	[sflag:s0] =	ssyncadd.s32 @!p0 s1  }
0x273: {  	[bflag:$0x3] =	sbarrier.arrive $0xFFFF  }
0x274: {  	_ =	shalt  }

</sc_bundles>
